<compile_context>
chip_gen: v7x
topology: tpu7x:2x2x1
jax: 0.10.2.dev20260603
libtpu: 0.0.44.dev20260713+nightly
codegen_flags: <defaults>
</compile_context>

<pallas_src>
import functools

import jax
import jax.numpy as jnp
from jax import lax
from jax.experimental import pallas as pl
from jax.experimental.pallas import tpu as pltpu
from jax.experimental.pallas import tpu_sc as plsc

BATCH = 4096
MAXLEN = 200
EMBED = 64
LANES = 16
NW = 32
ROWS_W = BATCH // NW
NB = 4
HALF = MAXLEN // 2

_mesh = plsc.VectorSubcoreMesh(core_axis_name="c", subcore_axis_name="s")


@functools.partial(
    pl.kernel,
    mesh=_mesh,
    compiler_params=pltpu.CompilerParams(use_tc_tiling_on_sc=False),
    out_type=jax.ShapeDtypeStruct((BATCH * MAXLEN, EMBED), jnp.float32),
    scratch_types=(
        [pltpu.VMEM((ROWS_W, 2, HALF), jnp.int32)]
        + [pltpu.VMEM((MAXLEN, EMBED), jnp.float32)]
        + [pltpu.VMEM((MAXLEN, EMBED), jnp.float32) for _ in range(NB)]
        + [pltpu.SemaphoreType.DMA for _ in range(NB)]
        + [pltpu.SemaphoreType.DMA for _ in range(NB)]
    ),
)
def _tok_pos_embed(x_hbm, tok_hbm, pos_hbm, out_hbm,
                   idx_v, pos_v, r0, r1, r2, r3,
                   g0, g1, g2, g3, s0, s1, s2, s3):
    rows = (r0, r1, r2, r3)
    gsem = (g0, g1, g2, g3)
    ssem = (s0, s1, s2, s3)

    wid = lax.axis_index("s") * 2 + lax.axis_index("c")
    base = wid * ROWS_W

    pltpu.sync_copy(x_hbm.at[pl.ds(base, ROWS_W)], idx_v)
    pltpu.sync_copy(pos_hbm, pos_v)

    def issue_gather(b, c):
        pltpu.async_copy(tok_hbm.at[idx_v.at[c, 0]],
                         rows[b].at[pl.ds(0, HALF)], gsem[b])
        pltpu.async_copy(tok_hbm.at[idx_v.at[c, 1]],
                         rows[b].at[pl.ds(HALF, HALF)], gsem[b])

    def wait_gather(b):
        pltpu.make_async_copy(tok_hbm.at[pl.ds(0, MAXLEN)], rows[b],
                              gsem[b]).wait()

    def wait_scatter(b):
        pltpu.make_async_copy(rows[b], out_hbm.at[pl.ds(0, MAXLEN)],
                              ssem[b]).wait()

    def add_pos(b):
        rbuf = rows[b]

        def rbody(r, carry):
            for k in range(EMBED // LANES):
                sl = pl.ds(k * LANES, LANES)
                plsc.addupdate(rbuf.at[r, sl], pos_v[r, sl])
            return carry

        lax.fori_loop(0, MAXLEN, rbody, 0, unroll=2)

    issue_gather(0, 0)
    issue_gather(1, 1)

    def outer(g, carry):
        for b in range(NB):
            c = g * NB + b
            nxt = c + 2
            nb_ = (b + 2) % NB

            @pl.when(nxt < ROWS_W)
            def _():
                @pl.when(c >= 2)
                def _():
                    wait_scatter(nb_)
                issue_gather(nb_, nxt)

            wait_gather(b)
            add_pos(b)
            pltpu.async_copy(rows[b],
                             out_hbm.at[pl.ds((base + c) * MAXLEN, MAXLEN)],
                             ssem[b])
        return carry

    lax.fori_loop(0, ROWS_W // NB, outer, 0)

    for b in range(NB):
        wait_scatter(b)


def kernel(x, token_table, pos_table):
    x3 = jnp.reshape(x.astype(jnp.int32), (BATCH, 2, HALF))
    out = _tok_pos_embed(x3, token_table, pos_table)
    return jnp.reshape(out, (BATCH, MAXLEN, EMBED))

# --- scband reference (transcript-rebuilt; emitter-appended) ---
"""Pipeline reference for scband-token-and-position-embedding-40793599377472 (READ-ONLY COPY).

The authoritative reference and input builder live on the scoring server;
editing this copy changes nothing except your own understanding.
"""

import jax, jax.numpy as jnp
import numpy as np

VOCAB = 1000000
MAXLEN = 200
EMBED = 64
BATCH = 4096

def setup_inputs(seed: int = 0) -> dict:
    key = jax.random.key(seed)
    k1, k2, k3 = jax.random.split(key, 3)
    x = jax.random.randint(k1, (BATCH, MAXLEN), 0, VOCAB, dtype=jnp.int64 if jax.config.jax_enable_x64 else jnp.int32)
    token_table = jax.random.normal(k2, (VOCAB, EMBED), dtype=jnp.float32) * 0.05
    pos_table = jax.random.normal(k3, (MAXLEN, EMBED), dtype=jnp.float32) * 0.05
    return {"x": x, "token_table": token_table, "pos_table": pos_table}

def reference(x, token_table, pos_table):
    # TokenAndPositionEmbedding.call:
    # maxlen = x.shape[-1]; positions = range(maxlen); pos = pos_emb(positions)
    # tok = token_emb(x); return tok + pos
    maxlen = x.shape[-1]
    positions = jnp.arange(maxlen)
    pos = jnp.take(pos_table, positions, axis=0)          # [maxlen, embed]
    tok = jnp.take(token_table, x, axis=0)                # [B, maxlen, embed]
    return tok + pos[None, :, :]

if __name__ == "__main__":
    import jax
    _d = setup_inputs()
    print(jax.jit(kernel)(*tuple(_d.values())))

</pallas_src>

<mosaic_0001>
#map = affine_map<(d0, d1) -> (0, 0, 0)>
#map1 = affine_map<(d0, d1) -> (0, 0)>
module attributes {stable_mosaic.version = 14 : i64} {
  func.func @_tok_pos_embed(%arg0: i32, %arg1: i32, %arg2: memref<4096x2x100xi32, #tpu.memory_space<hbm>>, %arg3: memref<1000000x64xf32, #tpu.memory_space<hbm>>, %arg4: memref<200x64xf32, #tpu.memory_space<hbm>>, %arg5: memref<819200x64xf32, #tpu.memory_space<hbm>>, %arg6: memref<128x2x100xi32, #tpu.memory_space<vmem>>, %arg7: memref<200x64xf32, #tpu.memory_space<vmem>>, %arg8: memref<200x64xf32, #tpu.memory_space<vmem>>, %arg9: memref<200x64xf32, #tpu.memory_space<vmem>>, %arg10: memref<200x64xf32, #tpu.memory_space<vmem>>, %arg11: memref<200x64xf32, #tpu.memory_space<vmem>>, %arg12: memref<!tpu.dma_semaphore, #tpu.memory_space<semaphore_mem>>, %arg13: memref<!tpu.dma_semaphore, #tpu.memory_space<semaphore_mem>>, %arg14: memref<!tpu.dma_semaphore, #tpu.memory_space<semaphore_mem>>, %arg15: memref<!tpu.dma_semaphore, #tpu.memory_space<semaphore_mem>>, %arg16: memref<!tpu.dma_semaphore, #tpu.memory_space<semaphore_mem>>, %arg17: memref<!tpu.dma_semaphore, #tpu.memory_space<semaphore_mem>>, %arg18: memref<!tpu.dma_semaphore, #tpu.memory_space<semaphore_mem>>, %arg19: memref<!tpu.dma_semaphore, #tpu.memory_space<semaphore_mem>>) attributes {dimension_semantics = [#tpu.dimension_semantics<core_parallel>, #tpu.dimension_semantics<subcore_parallel>], iteration_bounds = array<i64: 2, 16>, scalar_prefetch = 0 : i64, scratch_operands = 14 : i64, tpu.core_type = #tpu.core_type<sc_vector_subcore>, window_params = [{transform_indices = #map}, {transform_indices = #map1}, {transform_indices = #map1}, {transform_indices = #map1}]} {
    %mul3A = arith.constant 2 : i32
    %mul3A_0 = arith.muli %arg1, %mul3A : i32
    %add3A = arith.addi %mul3A_0, %arg0 : i32
    %mul3A_1 = arith.constant 128 : i32
    %mul3A_2 = arith.muli %add3A, %mul3A_1 : i32
    "tpu.region"() ({
      %run_scoped3A = tpu.sem_alloc : memref<!tpu.dma_semaphore, #tpu.memory_space<semaphore_mem>>
      %dma_start3A_74 = arith.constant 0 : i32
      %dma_start3A_75 = arith.constant 0 : i32
      %dma_start3A_76 = tpu.memref_slice %arg2[%mul3A_2, %dma_start3A_74, %dma_start3A_75] : memref<4096x2x100xi32, #tpu.memory_space<hbm>> -> memref<128x2x100xi32, #tpu.memory_space<hbm>>
      %dma_start3A_77 = arith.constant 0 : i32
      %dma_start3A_78 = arith.constant 0 : i32
      %dma_start3A_79 = tpu.memref_slice %arg2[%mul3A_2, %dma_start3A_77, %dma_start3A_78] : memref<4096x2x100xi32, #tpu.memory_space<hbm>> -> memref<128x2x100xi32, #tpu.memory_space<hbm>>
      tpu.enqueue_dma source(%dma_start3A_79 : memref<128x2x100xi32, #tpu.memory_space<hbm>>) target(%arg6 : memref<128x2x100xi32, #tpu.memory_space<vmem>>) target_semaphore(%run_scoped3A : memref<!tpu.dma_semaphore, #tpu.memory_space<semaphore_mem>>)
      %dma_wait3A_80 = arith.constant 0 : i32
      %dma_wait3A_81 = arith.constant 0 : i32
      %dma_wait3A_82 = tpu.memref_slice %arg2[%mul3A_2, %dma_wait3A_80, %dma_wait3A_81] : memref<4096x2x100xi32, #tpu.memory_space<hbm>> -> memref<128x2x100xi32, #tpu.memory_space<hbm>>
      %dma_wait3A_83 = arith.constant 0 : i32
      %dma_wait3A_84 = arith.constant 0 : i32
      %dma_wait3A_85 = tpu.memref_slice %arg2[%mul3A_2, %dma_wait3A_83, %dma_wait3A_84] : memref<4096x2x100xi32, #tpu.memory_space<hbm>> -> memref<128x2x100xi32, #tpu.memory_space<hbm>>
      tpu.wait_dma2 semaphore(%run_scoped3A : memref<!tpu.dma_semaphore, #tpu.memory_space<semaphore_mem>>) src(%dma_wait3A_85 : memref<128x2x100xi32, #tpu.memory_space<hbm>>) dst(%arg6 : memref<128x2x100xi32, #tpu.memory_space<vmem>>)
      tpu.yield
    }) : () -> ()
    "tpu.region"() ({
      %run_scoped3A = tpu.sem_alloc : memref<!tpu.dma_semaphore, #tpu.memory_space<semaphore_mem>>
      tpu.enqueue_dma source(%arg4 : memref<200x64xf32, #tpu.memory_space<hbm>>) target(%arg7 : memref<200x64xf32, #tpu.memory_space<vmem>>) target_semaphore(%run_scoped3A : memref<!tpu.dma_semaphore, #tpu.memory_space<semaphore_mem>>)
      tpu.wait_dma2 semaphore(%run_scoped3A : memref<!tpu.dma_semaphore, #tpu.memory_space<semaphore_mem>>) src(%arg4 : memref<200x64xf32, #tpu.memory_space<hbm>>) dst(%arg7 : memref<200x64xf32, #tpu.memory_space<vmem>>)
      tpu.yield
    }) : () -> ()
    %dma_start3A = arith.constant 0 : i32
    %dma_start3A_3 = arith.constant 0 : i32
    %dma_start3A_4 = arith.constant 0 : i32
    %dma_start3A_5 = arith.constant 0 : i32
    %dma_start3A_6 = tpu.memref_slice %arg8[%dma_start3A_4, %dma_start3A_5] : memref<200x64xf32, #tpu.memory_space<vmem>> -> memref<100x64xf32, #tpu.memory_space<vmem>>
    %dma_start3A_7 = arith.constant 0 : i32
    %dma_start3A_8 = tpu.memref_slice %arg6[%dma_start3A, %dma_start3A_3, %dma_start3A_7] : memref<128x2x100xi32, #tpu.memory_space<vmem>> -> memref<1x1x100xi32, #tpu.memory_space<vmem>>
    %dma_start3A_9 = tpu.memref_squeeze %dma_start3A_8 : memref<1x1x100xi32, #tpu.memory_space<vmem>> -> memref<100xi32, #tpu.memory_space<vmem>>
    %dma_start3A_10 = arith.constant 0 : i32
    %dma_start3A_11 = arith.constant 0 : i32
    %dma_start3A_12 = tpu.memref_slice %arg3[%dma_start3A_10, %dma_start3A_11] : memref<1000000x64xf32, #tpu.memory_space<hbm>> -> memref<1000000x64xf32, #tpu.memory_space<hbm>>
    tpu.enqueue_indirect_dma source(%dma_start3A_12 : memref<1000000x64xf32, #tpu.memory_space<hbm>>) target(%dma_start3A_6 : memref<100x64xf32, #tpu.memory_space<vmem>>) offsets(%dma_start3A_9 : memref<100xi32, #tpu.memory_space<vmem>>) semaphore(%arg12 : memref<!tpu.dma_semaphore, #tpu.memory_space<semaphore_mem>>)
    %dma_start3A_13 = arith.constant 0 : i32
    %dma_start3A_14 = arith.constant 1 : i32
    %dma_start3A_15 = arith.constant 100 : i32
    %dma_start3A_16 = arith.constant 0 : i32
    %dma_start3A_17 = tpu.memref_slice %arg8[%dma_start3A_15, %dma_start3A_16] : memref<200x64xf32, #tpu.memory_space<vmem>> -> memref<100x64xf32, #tpu.memory_space<vmem>>
    %dma_start3A_18 = arith.constant 0 : i32
    %dma_start3A_19 = tpu.memref_slice %arg6[%dma_start3A_13, %dma_start3A_14, %dma_start3A_18] : memref<128x2x100xi32, #tpu.memory_space<vmem>> -> memref<1x1x100xi32, #tpu.memory_space<vmem>>
    %dma_start3A_20 = tpu.memref_squeeze %dma_start3A_19 : memref<1x1x100xi32, #tpu.memory_space<vmem>> -> memref<100xi32, #tpu.memory_space<vmem>>
    %dma_start3A_21 = arith.constant 0 : i32
    %dma_start3A_22 = arith.constant 0 : i32
    %dma_start3A_23 = tpu.memref_slice %arg3[%dma_start3A_21, %dma_start3A_22] : memref<1000000x64xf32, #tpu.memory_space<hbm>> -> memref<1000000x64xf32, #tpu.memory_space<hbm>>
    tpu.enqueue_indirect_dma source(%dma_start3A_23 : memref<1000000x64xf32, #tpu.memory_space<hbm>>) target(%dma_start3A_17 : memref<100x64xf32, #tpu.memory_space<vmem>>) offsets(%dma_start3A_20 : memref<100xi32, #tpu.memory_space<vmem>>) semaphore(%arg12 : memref<!tpu.dma_semaphore, #tpu.memory_space<semaphore_mem>>)
    %dma_start3A_24 = arith.constant 1 : i32
    %dma_start3A_25 = arith.constant 0 : i32
    %dma_start3A_26 = arith.constant 0 : i32
    %dma_start3A_27 = arith.constant 0 : i32
    %dma_start3A_28 = tpu.memref_slice %arg9[%dma_start3A_26, %dma_start3A_27] : memref<200x64xf32, #tpu.memory_space<vmem>> -> memref<100x64xf32, #tpu.memory_space<vmem>>
    %dma_start3A_29 = arith.constant 0 : i32
    %dma_start3A_30 = tpu.memref_slice %arg6[%dma_start3A_24, %dma_start3A_25, %dma_start3A_29] : memref<128x2x100xi32, #tpu.memory_space<vmem>> -> memref<1x1x100xi32, #tpu.memory_space<vmem>>
    %dma_start3A_31 = tpu.memref_squeeze %dma_start3A_30 : memref<1x1x100xi32, #tpu.memory_space<vmem>> -> memref<100xi32, #tpu.memory_space<vmem>>
    %dma_start3A_32 = arith.constant 0 : i32
    %dma_start3A_33 = arith.constant 0 : i32
    %dma_start3A_34 = tpu.memref_slice %arg3[%dma_start3A_32, %dma_start3A_33] : memref<1000000x64xf32, #tpu.memory_space<hbm>> -> memref<1000000x64xf32, #tpu.memory_space<hbm>>
    tpu.enqueue_indirect_dma source(%dma_start3A_34 : memref<1000000x64xf32, #tpu.memory_space<hbm>>) target(%dma_start3A_28 : memref<100x64xf32, #tpu.memory_space<vmem>>) offsets(%dma_start3A_31 : memref<100xi32, #tpu.memory_space<vmem>>) semaphore(%arg13 : memref<!tpu.dma_semaphore, #tpu.memory_space<semaphore_mem>>)
    %dma_start3A_35 = arith.constant 1 : i32
    %dma_start3A_36 = arith.constant 1 : i32
    %dma_start3A_37 = arith.constant 100 : i32
    %dma_start3A_38 = arith.constant 0 : i32
    %dma_start3A_39 = tpu.memref_slice %arg9[%dma_start3A_37, %dma_start3A_38] : memref<200x64xf32, #tpu.memory_space<vmem>> -> memref<100x64xf32, #tpu.memory_space<vmem>>
    %dma_start3A_40 = arith.constant 0 : i32
    %dma_start3A_41 = tpu.memref_slice %arg6[%dma_start3A_35, %dma_start3A_36, %dma_start3A_40] : memref<128x2x100xi32, #tpu.memory_space<vmem>> -> memref<1x1x100xi32, #tpu.memory_space<vmem>>
    %dma_start3A_42 = tpu.memref_squeeze %dma_start3A_41 : memref<1x1x100xi32, #tpu.memory_space<vmem>> -> memref<100xi32, #tpu.memory_space<vmem>>
    %dma_start3A_43 = arith.constant 0 : i32
    %dma_start3A_44 = arith.constant 0 : i32
    %dma_start3A_45 = tpu.memref_slice %arg3[%dma_start3A_43, %dma_start3A_44] : memref<1000000x64xf32, #tpu.memory_space<hbm>> -> memref<1000000x64xf32, #tpu.memory_space<hbm>>
    tpu.enqueue_indirect_dma source(%dma_start3A_45 : memref<1000000x64xf32, #tpu.memory_space<hbm>>) target(%dma_start3A_39 : memref<100x64xf32, #tpu.memory_space<vmem>>) offsets(%dma_start3A_42 : memref<100xi32, #tpu.memory_space<vmem>>) semaphore(%arg13 : memref<!tpu.dma_semaphore, #tpu.memory_space<semaphore_mem>>)
    %scan3A = arith.constant 0 : i32
    %scan3A_46 = arith.constant 0 : i32
    %scan3A_47 = arith.constant 32 : i32
    %scan3A_48 = arith.addi %scan3A_46, %scan3A_47 : i32
    %scan3A_49 = arith.constant 1 : i32
    scf.for %scan3A_74 = %scan3A_46 to %scan3A_48 step %scan3A_49  : i32 {
      %mul3A_75 = arith.constant 4 : i32
      %mul3A_76 = arith.muli %scan3A_74, %mul3A_75 : i32
      %add3A_77 = arith.constant 0 : i32
      %add3A_78 = arith.addi %mul3A_76, %add3A_77 : i32
      %add3A_79 = arith.constant 2 : i32
      %add3A_80 = arith.addi %add3A_78, %add3A_79 : i32
      %lt3A = arith.constant 128 : i32
      %lt3A_81 = arith.cmpi slt, %add3A_80, %lt3A : i32
      %convert_element_type3A = arith.extui %lt3A_81 : i1 to i32
      %cond3A = arith.constant 0 : i32
      %cond3A_82 = arith.cmpi ne, %convert_element_type3A, %cond3A : i32
      scf.if %cond3A_82 {
        %ge3A = arith.constant 2 : i32
        %ge3A_192 = arith.cmpi sge, %add3A_78, %ge3A : i32
        %convert_element_type3A_193 = arith.extui %ge3A_192 : i1 to i32
        %cond3A_194 = arith.constant 0 : i32
        %cond3A_195 = arith.cmpi ne, %convert_element_type3A_193, %cond3A_194 : i32
        scf.if %cond3A_195 {
          %dma_wait3A_216 = arith.constant 0 : i32
          %dma_wait3A_217 = arith.constant 0 : i32
          %dma_wait3A_218 = tpu.memref_slice %arg5[%dma_wait3A_216, %dma_wait3A_217] : memref<819200x64xf32, #tpu.memory_space<hbm>> -> memref<200x64xf32, #tpu.memory_space<hbm>>
          %dma_wait3A_219 = arith.constant 0 : i32
          %dma_wait3A_220 = arith.constant 0 : i32
          %dma_wait3A_221 = tpu.memref_slice %arg5[%dma_wait3A_219, %dma_wait3A_220] : memref<819200x64xf32, #tpu.memory_space<hbm>> -> memref<200x64xf32, #tpu.memory_space<hbm>>
          tpu.wait_dma2 semaphore(%arg18 : memref<!tpu.dma_semaphore, #tpu.memory_space<semaphore_mem>>) src(%arg10 : memref<200x64xf32, #tpu.memory_space<vmem>>) dst(%dma_wait3A_221 : memref<200x64xf32, #tpu.memory_space<hbm>>)
        } else {
        }
        %dma_start3A_196 = arith.constant 0 : i32
        %dma_start3A_197 = arith.constant 0 : i32
        %dma_start3A_198 = arith.constant 0 : i32
        %dma_start3A_199 = tpu.memref_slice %arg10[%dma_start3A_197, %dma_start3A_198] : memref<200x64xf32, #tpu.memory_space<vmem>> -> memref<100x64xf32, #tpu.memory_space<vmem>>
        %dma_start3A_200 = arith.constant 0 : i32
        %dma_start3A_201 = tpu.memref_slice %arg6[%add3A_80, %dma_start3A_196, %dma_start3A_200] : memref<128x2x100xi32, #tpu.memory_space<vmem>> -> memref<1x1x100xi32, #tpu.memory_space<vmem>>
        %dma_start3A_202 = tpu.memref_squeeze %dma_start3A_201 : memref<1x1x100xi32, #tpu.memory_space<vmem>> -> memref<100xi32, #tpu.memory_space<vmem>>
        %dma_start3A_203 = arith.constant 0 : i32
        %dma_start3A_204 = arith.constant 0 : i32
        %dma_start3A_205 = tpu.memref_slice %arg3[%dma_start3A_203, %dma_start3A_204] : memref<1000000x64xf32, #tpu.memory_space<hbm>> -> memref<1000000x64xf32, #tpu.memory_space<hbm>>
        tpu.enqueue_indirect_dma source(%dma_start3A_205 : memref<1000000x64xf32, #tpu.memory_space<hbm>>) target(%dma_start3A_199 : memref<100x64xf32, #tpu.memory_space<vmem>>) offsets(%dma_start3A_202 : memref<100xi32, #tpu.memory_space<vmem>>) semaphore(%arg14 : memref<!tpu.dma_semaphore, #tpu.memory_space<semaphore_mem>>)
        %dma_start3A_206 = arith.constant 1 : i32
        %dma_start3A_207 = arith.constant 100 : i32
        %dma_start3A_208 = arith.constant 0 : i32
        %dma_start3A_209 = tpu.memref_slice %arg10[%dma_start3A_207, %dma_start3A_208] : memref<200x64xf32, #tpu.memory_space<vmem>> -> memref<100x64xf32, #tpu.memory_space<vmem>>
        %dma_start3A_210 = arith.constant 0 : i32
        %dma_start3A_211 = tpu.memref_slice %arg6[%add3A_80, %dma_start3A_206, %dma_start3A_210] : memref<128x2x100xi32, #tpu.memory_space<vmem>> -> memref<1x1x100xi32, #tpu.memory_space<vmem>>
        %dma_start3A_212 = tpu.memref_squeeze %dma_start3A_211 : memref<1x1x100xi32, #tpu.memory_space<vmem>> -> memref<100xi32, #tpu.memory_space<vmem>>
        %dma_start3A_213 = arith.constant 0 : i32
        %dma_start3A_214 = arith.constant 0 : i32
        %dma_start3A_215 = tpu.memref_slice %arg3[%dma_start3A_213, %dma_start3A_214] : memref<1000000x64xf32, #tpu.memory_space<hbm>> -> memref<1000000x64xf32, #tpu.memory_space<hbm>>
        tpu.enqueue_indirect_dma source(%dma_start3A_215 : memref<1000000x64xf32, #tpu.memory_space<hbm>>) target(%dma_start3A_209 : memref<100x64xf32, #tpu.memory_space<vmem>>) offsets(%dma_start3A_212 : memref<100xi32, #tpu.memory_space<vmem>>) semaphore(%arg14 : memref<!tpu.dma_semaphore, #tpu.memory_space<semaphore_mem>>)
      } else {
      }
      %dma_wait3A_83 = arith.constant 0 : i32
      %dma_wait3A_84 = arith.constant 0 : i32
      %dma_wait3A_85 = tpu.memref_slice %arg3[%dma_wait3A_83, %dma_wait3A_84] : memref<1000000x64xf32, #tpu.memory_space<hbm>> -> memref<200x64xf32, #tpu.memory_space<hbm>>
      %dma_wait3A_86 = arith.constant 0 : i32
      %dma_wait3A_87 = arith.constant 0 : i32
      %dma_wait3A_88 = tpu.memref_slice %arg3[%dma_wait3A_86, %dma_wait3A_87] : memref<1000000x64xf32, #tpu.memory_space<hbm>> -> memref<200x64xf32, #tpu.memory_space<hbm>>
      tpu.wait_dma2 semaphore(%arg12 : memref<!tpu.dma_semaphore, #tpu.memory_space<semaphore_mem>>) src(%dma_wait3A_88 : memref<200x64xf32, #tpu.memory_space<hbm>>) dst(%arg8 : memref<200x64xf32, #tpu.memory_space<vmem>>)
      %scan3A_89 = arith.constant 0 : i32
      %scan3A_90 = arith.constant 0 : i32
      %scan3A_91 = arith.constant 200 : i32
      %scan3A_92 = arith.addi %scan3A_90, %scan3A_91 : i32
      %scan3A_93 = arith.constant 2 : i32
      scf.for %scan3A_192 = %scan3A_90 to %scan3A_92 step %scan3A_93  : i32 {
        %get3A = arith.index_cast %scan3A_192 : i32 to index
        %get3A_193 = arith.constant 0 : index
        %get3A_194 = tpu.vector_load %arg7[%get3A, %get3A_193] {strides = array<i32>} : memref<200x64xf32, #tpu.memory_space<vmem>>, vector<1x16xf32>,
        %get3A_195 = vector.shape_cast %get3A_194 : vector<1x16xf32> to vector<16xf32>
        %swap3A = arith.index_cast %scan3A_192 : i32 to index
        %swap3A_196 = arith.constant 0 : index
        %swap3A_197 = tpu.vector_load %arg8[%swap3A, %swap3A_196] {strides = array<i32>} : memref<200x64xf32, #tpu.memory_space<vmem>>, vector<1x16xf32>,
        %swap3A_198 = vector.shape_cast %swap3A_197 : vector<1x16xf32> to vector<16xf32>
        %swap3A_199 = vector.shape_cast %get3A_195 : vector<16xf32> to vector<1x16xf32>
        tpu.vector_store %arg8[%swap3A, %swap3A_196], %swap3A_199 {add = true, strides = array<i32>} : memref<200x64xf32, #tpu.memory_space<vmem>>, vector<1x16xf32>,
        %get3A_200 = arith.index_cast %scan3A_192 : i32 to index
        %get3A_201 = arith.constant 16 : index
        %get3A_202 = tpu.vector_load %arg7[%get3A_200, %get3A_201] {strides = array<i32>} : memref<200x64xf32, #tpu.memory_space<vmem>>, vector<1x16xf32>,
        %get3A_203 = vector.shape_cast %get3A_202 : vector<1x16xf32> to vector<16xf32>
        %swap3A_204 = arith.index_cast %scan3A_192 : i32 to index
        %swap3A_205 = arith.constant 16 : index
        %swap3A_206 = tpu.vector_load %arg8[%swap3A_204, %swap3A_205] {strides = array<i32>} : memref<200x64xf32, #tpu.memory_space<vmem>>, vector<1x16xf32>,
        %swap3A_207 = vector.shape_cast %swap3A_206 : vector<1x16xf32> to vector<16xf32>
        %swap3A_208 = vector.shape_cast %get3A_203 : vector<16xf32> to vector<1x16xf32>
        tpu.vector_store %arg8[%swap3A_204, %swap3A_205], %swap3A_208 {add = true, strides = array<i32>} : memref<200x64xf32, #tpu.memory_space<vmem>>, vector<1x16xf32>,
        %get3A_209 = arith.index_cast %scan3A_192 : i32 to index
        %get3A_210 = arith.constant 32 : index
        %get3A_211 = tpu.vector_load %arg7[%get3A_209, %get3A_210] {strides = array<i32>} : memref<200x64xf32, #tpu.memory_space<vmem>>, vector<1x16xf32>,
        %get3A_212 = vector.shape_cast %get3A_211 : vector<1x16xf32> to vector<16xf32>
        %swap3A_213 = arith.index_cast %scan3A_192 : i32 to index
        %swap3A_214 = arith.constant 32 : index
        %swap3A_215 = tpu.vector_load %arg8[%swap3A_213, %swap3A_214] {strides = array<i32>} : memref<200x64xf32, #tpu.memory_space<vmem>>, vector<1x16xf32>,
        %swap3A_216 = vector.shape_cast %swap3A_215 : vector<1x16xf32> to vector<16xf32>
        %swap3A_217 = vector.shape_cast %get3A_212 : vector<16xf32> to vector<1x16xf32>
        tpu.vector_store %arg8[%swap3A_213, %swap3A_214], %swap3A_217 {add = true, strides = array<i32>} : memref<200x64xf32, #tpu.memory_space<vmem>>, vector<1x16xf32>,
        %get3A_218 = arith.index_cast %scan3A_192 : i32 to index
        %get3A_219 = arith.constant 48 : index
        %get3A_220 = tpu.vector_load %arg7[%get3A_218, %get3A_219] {strides = array<i32>} : memref<200x64xf32, #tpu.memory_space<vmem>>, vector<1x16xf32>,
        %get3A_221 = vector.shape_cast %get3A_220 : vector<1x16xf32> to vector<16xf32>
        %swap3A_222 = arith.index_cast %scan3A_192 : i32 to index
        %swap3A_223 = arith.constant 48 : index
        %swap3A_224 = tpu.vector_load %arg8[%swap3A_222, %swap3A_223] {strides = array<i32>} : memref<200x64xf32, #tpu.memory_space<vmem>>, vector<1x16xf32>,
        %swap3A_225 = vector.shape_cast %swap3A_224 : vector<1x16xf32> to vector<16xf32>
        %swap3A_226 = vector.shape_cast %get3A_221 : vector<16xf32> to vector<1x16xf32>
        tpu.vector_store %arg8[%swap3A_222, %swap3A_223], %swap3A_226 {add = true, strides = array<i32>} : memref<200x64xf32, #tpu.memory_space<vmem>>, vector<1x16xf32>,
        %scan3A_227 = arith.constant 1 : i32
        %scan3A_228 = arith.addi %scan3A_192, %scan3A_227 : i32
        %get3A_229 = arith.index_cast %scan3A_228 : i32 to index
        %get3A_230 = arith.constant 0 : index
        %get3A_231 = tpu.vector_load %arg7[%get3A_229, %get3A_230] {strides = array<i32>} : memref<200x64xf32, #tpu.memory_space<vmem>>, vector<1x16xf32>,
        %get3A_232 = vector.shape_cast %get3A_231 : vector<1x16xf32> to vector<16xf32>
        %swap3A_233 = arith.index_cast %scan3A_228 : i32 to index
        %swap3A_234 = arith.constant 0 : index
        %swap3A_235 = tpu.vector_load %arg8[%swap3A_233, %swap3A_234] {strides = array<i32>} : memref<200x64xf32, #tpu.memory_space<vmem>>, vector<1x16xf32>,
        %swap3A_236 = vector.shape_cast %swap3A_235 : vector<1x16xf32> to vector<16xf32>
        %swap3A_237 = vector.shape_cast %get3A_232 : vector<16xf32> to vector<1x16xf32>
        tpu.vector_store %arg8[%swap3A_233, %swap3A_234], %swap3A_237 {add = true, strides = array<i32>} : memref<200x64xf32, #tpu.memory_space<vmem>>, vector<1x16xf32>,
        %get3A_238 = arith.index_cast %scan3A_228 : i32 to index
        %get3A_239 = arith.constant 16 : index
        %get3A_240 = tpu.vector_load %arg7[%get3A_238, %get3A_239] {strides = array<i32>} : memref<200x64xf32, #tpu.memory_space<vmem>>, vector<1x16xf32>,
        %get3A_241 = vector.shape_cast %get3A_240 : vector<1x16xf32> to vector<16xf32>
        %swap3A_242 = arith.index_cast %scan3A_228 : i32 to index
        %swap3A_243 = arith.constant 16 : index
        %swap3A_244 = tpu.vector_load %arg8[%swap3A_242, %swap3A_243] {strides = array<i32>} : memref<200x64xf32, #tpu.memory_space<vmem>>, vector<1x16xf32>,
        %swap3A_245 = vector.shape_cast %swap3A_244 : vector<1x16xf32> to vector<16xf32>
        %swap3A_246 = vector.shape_cast %get3A_241 : vector<16xf32> to vector<1x16xf32>
        tpu.vector_store %arg8[%swap3A_242, %swap3A_243], %swap3A_246 {add = true, strides = array<i32>} : memref<200x64xf32, #tpu.memory_space<vmem>>, vector<1x16xf32>,
        %get3A_247 = arith.index_cast %scan3A_228 : i32 to index
        %get3A_248 = arith.constant 32 : index
        %get3A_249 = tpu.vector_load %arg7[%get3A_247, %get3A_248] {strides = array<i32>} : memref<200x64xf32, #tpu.memory_space<vmem>>, vector<1x16xf32>,
        %get3A_250 = vector.shape_cast %get3A_249 : vector<1x16xf32> to vector<16xf32>
        %swap3A_251 = arith.index_cast %scan3A_228 : i32 to index
        %swap3A_252 = arith.constant 32 : index
        %swap3A_253 = tpu.vector_load %arg8[%swap3A_251, %swap3A_252] {strides = array<i32>} : memref<200x64xf32, #tpu.memory_space<vmem>>, vector<1x16xf32>,
        %swap3A_254 = vector.shape_cast %swap3A_253 : vector<1x16xf32> to vector<16xf32>
        %swap3A_255 = vector.shape_cast %get3A_250 : vector<16xf32> to vector<1x16xf32>
        tpu.vector_store %arg8[%swap3A_251, %swap3A_252], %swap3A_255 {add = true, strides = array<i32>} : memref<200x64xf32, #tpu.memory_space<vmem>>, vector<1x16xf32>,
        %get3A_256 = arith.index_cast %scan3A_228 : i32 to index
        %get3A_257 = arith.constant 48 : index
        %get3A_258 = tpu.vector_load %arg7[%get3A_256, %get3A_257] {strides = array<i32>} : memref<200x64xf32, #tpu.memory_space<vmem>>, vector<1x16xf32>,
        %get3A_259 = vector.shape_cast %get3A_258 : vector<1x16xf32> to vector<16xf32>
        %swap3A_260 = arith.index_cast %scan3A_228 : i32 to index
        %swap3A_261 = arith.constant 48 : index
        %swap3A_262 = tpu.vector_load %arg8[%swap3A_260, %swap3A_261] {strides = array<i32>} : memref<200x64xf32, #tpu.memory_space<vmem>>, vector<1x16xf32>,
        %swap3A_263 = vector.shape_cast %swap3A_262 : vector<1x16xf32> to vector<16xf32>
        %swap3A_264 = vector.shape_cast %get3A_259 : vector<16xf32> to vector<1x16xf32>
        tpu.vector_store %arg8[%swap3A_260, %swap3A_261], %swap3A_264 {add = true, strides = array<i32>} : memref<200x64xf32, #tpu.memory_space<vmem>>, vector<1x16xf32>,
      }
      %scan3A_94 = arith.constant 200 : i32
      %add3A_95 = arith.addi %mul3A_2, %add3A_78 : i32
      %mul3A_96 = arith.constant 200 : i32
      %mul3A_97 = arith.muli %add3A_95, %mul3A_96 : i32
      %dma_start3A_98 = arith.constant 0 : i32
      %dma_start3A_99 = tpu.memref_slice %arg5[%mul3A_97, %dma_start3A_98] : memref<819200x64xf32, #tpu.memory_space<hbm>> -> memref<200x64xf32, #tpu.memory_space<hbm>>
      %dma_start3A_100 = arith.constant 0 : i32
      %dma_start3A_101 = tpu.memref_slice %arg5[%mul3A_97, %dma_start3A_100] : memref<819200x64xf32, #tpu.memory_space<hbm>> -> memref<200x64xf32, #tpu.memory_space<hbm>>
      tpu.enqueue_dma source(%arg8 : memref<200x64xf32, #tpu.memory_space<vmem>>) target(%dma_start3A_101 : memref<200x64xf32, #tpu.memory_space<hbm>>) target_semaphore(%arg16 : memref<!tpu.dma_semaphore, #tpu.memory_space<semaphore_mem>>)
      %mul3A_102 = arith.constant 4 : i32
      %mul3A_103 = arith.muli %scan3A_74, %mul3A_102 : i32
      %add3A_104 = arith.constant 1 : i32
      %add3A_105 = arith.addi %mul3A_103, %add3A_104 : i32
      %add3A_106 = arith.constant 2 : i32
      %add3A_107 = arith.addi %add3A_105, %add3A_106 : i32
      %lt3A_108 = arith.constant 128 : i32
      %lt3A_109 = arith.cmpi slt, %add3A_107, %lt3A_108 : i32
      %convert_element_type3A_110 = arith.extui %lt3A_109 : i1 to i32
      %cond3A_111 = arith.constant 0 : i32
      %cond3A_112 = arith.cmpi ne, %convert_element_type3A_110, %cond3A_111 : i32
      scf.if %cond3A_112 {
        %ge3A = arith.constant 2 : i32
        %ge3A_192 = arith.cmpi sge, %add3A_105, %ge3A : i32
        %convert_element_type3A_193 = arith.extui %ge3A_192 : i1 to i32
        %cond3A_194 = arith.constant 0 : i32
        %cond3A_195 = arith.cmpi ne, %convert_element_type3A_193, %cond3A_194 : i32
        scf.if %cond3A_195 {
          %dma_wait3A_216 = arith.constant 0 : i32
          %dma_wait3A_217 = arith.constant 0 : i32
          %dma_wait3A_218 = tpu.memref_slice %arg5[%dma_wait3A_216, %dma_wait3A_217] : memref<819200x64xf32, #tpu.memory_space<hbm>> -> memref<200x64xf32, #tpu.memory_space<hbm>>
          %dma_wait3A_219 = arith.constant 0 : i32
          %dma_wait3A_220 = arith.constant 0 : i32
          %dma_wait3A_221 = tpu.memref_slice %arg5[%dma_wait3A_219, %dma_wait3A_220] : memref<819200x64xf32, #tpu.memory_space<hbm>> -> memref<200x64xf32, #tpu.memory_space<hbm>>
          tpu.wait_dma2 semaphore(%arg19 : memref<!tpu.dma_semaphore, #tpu.memory_space<semaphore_mem>>) src(%arg11 : memref<200x64xf32, #tpu.memory_space<vmem>>) dst(%dma_wait3A_221 : memref<200x64xf32, #tpu.memory_space<hbm>>)
        } else {
        }
        %dma_start3A_196 = arith.constant 0 : i32
        %dma_start3A_197 = arith.constant 0 : i32
        %dma_start3A_198 = arith.constant 0 : i32
        %dma_start3A_199 = tpu.memref_slice %arg11[%dma_start3A_197, %dma_start3A_198] : memref<200x64xf32, #tpu.memory_space<vmem>> -> memref<100x64xf32, #tpu.memory_space<vmem>>
        %dma_start3A_200 = arith.constant 0 : i32
        %dma_start3A_201 = tpu.memref_slice %arg6[%add3A_107, %dma_start3A_196, %dma_start3A_200] : memref<128x2x100xi32, #tpu.memory_space<vmem>> -> memref<1x1x100xi32, #tpu.memory_space<vmem>>
        %dma_start3A_202 = tpu.memref_squeeze %dma_start3A_201 : memref<1x1x100xi32, #tpu.memory_space<vmem>> -> memref<100xi32, #tpu.memory_space<vmem>>
        %dma_start3A_203 = arith.constant 0 : i32
        %dma_start3A_204 = arith.constant 0 : i32
        %dma_start3A_205 = tpu.memref_slice %arg3[%dma_start3A_203, %dma_start3A_204] : memref<1000000x64xf32, #tpu.memory_space<hbm>> -> memref<1000000x64xf32, #tpu.memory_space<hbm>>
        tpu.enqueue_indirect_dma source(%dma_start3A_205 : memref<1000000x64xf32, #tpu.memory_space<hbm>>) target(%dma_start3A_199 : memref<100x64xf32, #tpu.memory_space<vmem>>) offsets(%dma_start3A_202 : memref<100xi32, #tpu.memory_space<vmem>>) semaphore(%arg15 : memref<!tpu.dma_semaphore, #tpu.memory_space<semaphore_mem>>)
        %dma_start3A_206 = arith.constant 1 : i32
        %dma_start3A_207 = arith.constant 100 : i32
        %dma_start3A_208 = arith.constant 0 : i32
        %dma_start3A_209 = tpu.memref_slice %arg11[%dma_start3A_207, %dma_start3A_208] : memref<200x64xf32, #tpu.memory_space<vmem>> -> memref<100x64xf32, #tpu.memory_space<vmem>>
        %dma_start3A_210 = arith.constant 0 : i32
        %dma_start3A_211 = tpu.memref_slice %arg6[%add3A_107, %dma_start3A_206, %dma_start3A_210] : memref<128x2x100xi32, #tpu.memory_space<vmem>> -> memref<1x1x100xi32, #tpu.memory_space<vmem>>
        %dma_start3A_212 = tpu.memref_squeeze %dma_start3A_211 : memref<1x1x100xi32, #tpu.memory_space<vmem>> -> memref<100xi32, #tpu.memory_space<vmem>>
        %dma_start3A_213 = arith.constant 0 : i32
        %dma_start3A_214 = arith.constant 0 : i32
        %dma_start3A_215 = tpu.memref_slice %arg3[%dma_start3A_213, %dma_start3A_214] : memref<1000000x64xf32, #tpu.memory_space<hbm>> -> memref<1000000x64xf32, #tpu.memory_space<hbm>>
        tpu.enqueue_indirect_dma source(%dma_start3A_215 : memref<1000000x64xf32, #tpu.memory_space<hbm>>) target(%dma_start3A_209 : memref<100x64xf32, #tpu.memory_space<vmem>>) offsets(%dma_start3A_212 : memref<100xi32, #tpu.memory_space<vmem>>) semaphore(%arg15 : memref<!tpu.dma_semaphore, #tpu.memory_space<semaphore_mem>>)
      } else {
      }
      %dma_wait3A_113 = arith.constant 0 : i32
      %dma_wait3A_114 = arith.constant 0 : i32
      %dma_wait3A_115 = tpu.memref_slice %arg3[%dma_wait3A_113, %dma_wait3A_114] : memref<1000000x64xf32, #tpu.memory_space<hbm>> -> memref<200x64xf32, #tpu.memory_space<hbm>>
      %dma_wait3A_116 = arith.constant 0 : i32
      %dma_wait3A_117 = arith.constant 0 : i32
      %dma_wait3A_118 = tpu.memref_slice %arg3[%dma_wait3A_116, %dma_wait3A_117] : memref<1000000x64xf32, #tpu.memory_space<hbm>> -> memref<200x64xf32, #tpu.memory_space<hbm>>
      tpu.wait_dma2 semaphore(%arg13 : memref<!tpu.dma_semaphore, #tpu.memory_space<semaphore_mem>>) src(%dma_wait3A_118 : memref<200x64xf32, #tpu.memory_space<hbm>>) dst(%arg9 : memref<200x64xf32, #tpu.memory_space<vmem>>)
      %scan3A_119 = arith.constant 0 : i32
      %scan3A_120 = arith.constant 0 : i32
      %scan3A_121 = arith.constant 200 : i32
      %scan3A_122 = arith.addi %scan3A_120, %scan3A_121 : i32
      %scan3A_123 = arith.constant 2 : i32
      scf.for %scan3A_192 = %scan3A_120 to %scan3A_122 step %scan3A_123  : i32 {
        %get3A = arith.index_cast %scan3A_192 : i32 to index
        %get3A_193 = arith.constant 0 : index
        %get3A_194 = tpu.vector_load %arg7[%get3A, %get3A_193] {strides = array<i32>} : memref<200x64xf32, #tpu.memory_space<vmem>>, vector<1x16xf32>,
        %get3A_195 = vector.shape_cast %get3A_194 : vector<1x16xf32> to vector<16xf32>
        %swap3A = arith.index_cast %scan3A_192 : i32 to index
        %swap3A_196 = arith.constant 0 : index
        %swap3A_197 = tpu.vector_load %arg9[%swap3A, %swap3A_196] {strides = array<i32>} : memref<200x64xf32, #tpu.memory_space<vmem>>, vector<1x16xf32>,
        %swap3A_198 = vector.shape_cast %swap3A_197 : vector<1x16xf32> to vector<16xf32>
        %swap3A_199 = vector.shape_cast %get3A_195 : vector<16xf32> to vector<1x16xf32>
        tpu.vector_store %arg9[%swap3A, %swap3A_196], %swap3A_199 {add = true, strides = array<i32>} : memref<200x64xf32, #tpu.memory_space<vmem>>, vector<1x16xf32>,
        %get3A_200 = arith.index_cast %scan3A_192 : i32 to index
        %get3A_201 = arith.constant 16 : index
        %get3A_202 = tpu.vector_load %arg7[%get3A_200, %get3A_201] {strides = array<i32>} : memref<200x64xf32, #tpu.memory_space<vmem>>, vector<1x16xf32>,
        %get3A_203 = vector.shape_cast %get3A_202 : vector<1x16xf32> to vector<16xf32>
        %swap3A_204 = arith.index_cast %scan3A_192 : i32 to index
        %swap3A_205 = arith.constant 16 : index
        %swap3A_206 = tpu.vector_load %arg9[%swap3A_204, %swap3A_205] {strides = array<i32>} : memref<200x64xf32, #tpu.memory_space<vmem>>, vector<1x16xf32>,
        %swap3A_207 = vector.shape_cast %swap3A_206 : vector<1x16xf32> to vector<16xf32>
        %swap3A_208 = vector.shape_cast %get3A_203 : vector<16xf32> to vector<1x16xf32>
        tpu.vector_store %arg9[%swap3A_204, %swap3A_205], %swap3A_208 {add = true, strides = array<i32>} : memref<200x64xf32, #tpu.memory_space<vmem>>, vector<1x16xf32>,
        %get3A_209 = arith.index_cast %scan3A_192 : i32 to index
        %get3A_210 = arith.constant 32 : index
        %get3A_211 = tpu.vector_load %arg7[%get3A_209, %get3A_210] {strides = array<i32>} : memref<200x64xf32, #tpu.memory_space<vmem>>, vector<1x16xf32>,
        %get3A_212 = vector.shape_cast %get3A_211 : vector<1x16xf32> to vector<16xf32>
        %swap3A_213 = arith.index_cast %scan3A_192 : i32 to index
        %swap3A_214 = arith.constant 32 : index
        %swap3A_215 = tpu.vector_load %arg9[%swap3A_213, %swap3A_214] {strides = array<i32>} : memref<200x64xf32, #tpu.memory_space<vmem>>, vector<1x16xf32>,
        %swap3A_216 = vector.shape_cast %swap3A_215 : vector<1x16xf32> to vector<16xf32>
        %swap3A_217 = vector.shape_cast %get3A_212 : vector<16xf32> to vector<1x16xf32>
        tpu.vector_store %arg9[%swap3A_213, %swap3A_214], %swap3A_217 {add = true, strides = array<i32>} : memref<200x64xf32, #tpu.memory_space<vmem>>, vector<1x16xf32>,
        %get3A_218 = arith.index_cast %scan3A_192 : i32 to index
        %get3A_219 = arith.constant 48 : index
        %get3A_220 = tpu.vector_load %arg7[%get3A_218, %get3A_219] {strides = array<i32>} : memref<200x64xf32, #tpu.memory_space<vmem>>, vector<1x16xf32>,
        %get3A_221 = vector.shape_cast %get3A_220 : vector<1x16xf32> to vector<16xf32>
        %swap3A_222 = arith.index_cast %scan3A_192 : i32 to index
        %swap3A_223 = arith.constant 48 : index
        %swap3A_224 = tpu.vector_load %arg9[%swap3A_222, %swap3A_223] {strides = array<i32>} : memref<200x64xf32, #tpu.memory_space<vmem>>, vector<1x16xf32>,
        %swap3A_225 = vector.shape_cast %swap3A_224 : vector<1x16xf32> to vector<16xf32>
        %swap3A_226 = vector.shape_cast %get3A_221 : vector<16xf32> to vector<1x16xf32>
        tpu.vector_store %arg9[%swap3A_222, %swap3A_223], %swap3A_226 {add = true, strides = array<i32>} : memref<200x64xf32, #tpu.memory_space<vmem>>, vector<1x16xf32>,
        %scan3A_227 = arith.constant 1 : i32
        %scan3A_228 = arith.addi %scan3A_192, %scan3A_227 : i32
        %get3A_229 = arith.index_cast %scan3A_228 : i32 to index
        %get3A_230 = arith.constant 0 : index
        %get3A_231 = tpu.vector_load %arg7[%get3A_229, %get3A_230] {strides = array<i32>} : memref<200x64xf32, #tpu.memory_space<vmem>>, vector<1x16xf32>,
        %get3A_232 = vector.shape_cast %get3A_231 : vector<1x16xf32> to vector<16xf32>
        %swap3A_233 = arith.index_cast %scan3A_228 : i32 to index
        %swap3A_234 = arith.constant 0 : index
        %swap3A_235 = tpu.vector_load %arg9[%swap3A_233, %swap3A_234] {strides = array<i32>} : memref<200x64xf32, #tpu.memory_space<vmem>>, vector<1x16xf32>,
        %swap3A_236 = vector.shape_cast %swap3A_235 : vector<1x16xf32> to vector<16xf32>
        %swap3A_237 = vector.shape_cast %get3A_232 : vector<16xf32> to vector<1x16xf32>
        tpu.vector_store %arg9[%swap3A_233, %swap3A_234], %swap3A_237 {add = true, strides = array<i32>} : memref<200x64xf32, #tpu.memory_space<vmem>>, vector<1x16xf32>,
        %get3A_238 = arith.index_cast %scan3A_228 : i32 to index
        %get3A_239 = arith.constant 16 : index
        %get3A_240 = tpu.vector_load %arg7[%get3A_238, %get3A_239] {strides = array<i32>} : memref<200x64xf32, #tpu.memory_space<vmem>>, vector<1x16xf32>,
        %get3A_241 = vector.shape_cast %get3A_240 : vector<1x16xf32> to vector<16xf32>
        %swap3A_242 = arith.index_cast %scan3A_228 : i32 to index
        %swap3A_243 = arith.constant 16 : index
        %swap3A_244 = tpu.vector_load %arg9[%swap3A_242, %swap3A_243] {strides = array<i32>} : memref<200x64xf32, #tpu.memory_space<vmem>>, vector<1x16xf32>,
        %swap3A_245 = vector.shape_cast %swap3A_244 : vector<1x16xf32> to vector<16xf32>
        %swap3A_246 = vector.shape_cast %get3A_241 : vector<16xf32> to vector<1x16xf32>
        tpu.vector_store %arg9[%swap3A_242, %swap3A_243], %swap3A_246 {add = true, strides = array<i32>} : memref<200x64xf32, #tpu.memory_space<vmem>>, vector<1x16xf32>,
        %get3A_247 = arith.index_cast %scan3A_228 : i32 to index
        %get3A_248 = arith.constant 32 : index
        %get3A_249 = tpu.vector_load %arg7[%get3A_247, %get3A_248] {strides = array<i32>} : memref<200x64xf32, #tpu.memory_space<vmem>>, vector<1x16xf32>,
        %get3A_250 = vector.shape_cast %get3A_249 : vector<1x16xf32> to vector<16xf32>
        %swap3A_251 = arith.index_cast %scan3A_228 : i32 to index
        %swap3A_252 = arith.constant 32 : index
        %swap3A_253 = tpu.vector_load %arg9[%swap3A_251, %swap3A_252] {strides = array<i32>} : memref<200x64xf32, #tpu.memory_space<vmem>>, vector<1x16xf32>,
        %swap3A_254 = vector.shape_cast %swap3A_253 : vector<1x16xf32> to vector<16xf32>
        %swap3A_255 = vector.shape_cast %get3A_250 : vector<16xf32> to vector<1x16xf32>
        tpu.vector_store %arg9[%swap3A_251, %swap3A_252], %swap3A_255 {add = true, strides = array<i32>} : memref<200x64xf32, #tpu.memory_space<vmem>>, vector<1x16xf32>,
        %get3A_256 = arith.index_cast %scan3A_228 : i32 to index
        %get3A_257 = arith.constant 48 : index
        %get3A_258 = tpu.vector_load %arg7[%get3A_256, %get3A_257] {strides = array<i32>} : memref<200x64xf32, #tpu.memory_space<vmem>>, vector<1x16xf32>,
        %get3A_259 = vector.shape_cast %get3A_258 : vector<1x16xf32> to vector<16xf32>
        %swap3A_260 = arith.index_cast %scan3A_228 : i32 to index
        %swap3A_261 = arith.constant 48 : index
        %swap3A_262 = tpu.vector_load %arg9[%swap3A_260, %swap3A_261] {strides = array<i32>} : memref<200x64xf32, #tpu.memory_space<vmem>>, vector<1x16xf32>,
        %swap3A_263 = vector.shape_cast %swap3A_262 : vector<1x16xf32> to vector<16xf32>
        %swap3A_264 = vector.shape_cast %get3A_259 : vector<16xf32> to vector<1x16xf32>
        tpu.vector_store %arg9[%swap3A_260, %swap3A_261], %swap3A_264 {add = true, strides = array<i32>} : memref<200x64xf32, #tpu.memory_space<vmem>>, vector<1x16xf32>,
      }
      %scan3A_124 = arith.constant 200 : i32
      %add3A_125 = arith.addi %mul3A_2, %add3A_105 : i32
      %mul3A_126 = arith.constant 200 : i32
      %mul3A_127 = arith.muli %add3A_125, %mul3A_126 : i32
      %dma_start3A_128 = arith.constant 0 : i32
      %dma_start3A_129 = tpu.memref_slice %arg5[%mul3A_127, %dma_start3A_128] : memref<819200x64xf32, #tpu.memory_space<hbm>> -> memref<200x64xf32, #tpu.memory_space<hbm>>
      %dma_start3A_130 = arith.constant 0 : i32
      %dma_start3A_131 = tpu.memref_slice %arg5[%mul3A_127, %dma_start3A_130] : memref<819200x64xf32, #tpu.memory_space<hbm>> -> memref<200x64xf32, #tpu.memory_space<hbm>>
      tpu.enqueue_dma source(%arg9 : memref<200x64xf32, #tpu.memory_space<vmem>>) target(%dma_start3A_131 : memref<200x64xf32, #tpu.memory_space<hbm>>) target_semaphore(%arg17 : memref<!tpu.dma_semaphore, #tpu.memory_space<semaphore_mem>>)
      %mul3A_132 = arith.constant 4 : i32
      %mul3A_133 = arith.muli %scan3A_74, %mul3A_132 : i32
      %add3A_134 = arith.constant 2 : i32
      %add3A_135 = arith.addi %mul3A_133, %add3A_134 : i32
      %add3A_136 = arith.constant 2 : i32
      %add3A_137 = arith.addi %add3A_135, %add3A_136 : i32
      %lt3A_138 = arith.constant 128 : i32
      %lt3A_139 = arith.cmpi slt, %add3A_137, %lt3A_138 : i32
      %convert_element_type3A_140 = arith.extui %lt3A_139 : i1 to i32
      %cond3A_141 = arith.constant 0 : i32
      %cond3A_142 = arith.cmpi ne, %convert_element_type3A_140, %cond3A_141 : i32
      scf.if %cond3A_142 {
        %ge3A = arith.constant 2 : i32
        %ge3A_192 = arith.cmpi sge, %add3A_135, %ge3A : i32
        %convert_element_type3A_193 = arith.extui %ge3A_192 : i1 to i32
        %cond3A_194 = arith.constant 0 : i32
        %cond3A_195 = arith.cmpi ne, %convert_element_type3A_193, %cond3A_194 : i32
        scf.if %cond3A_195 {
          %dma_wait3A_216 = arith.constant 0 : i32
          %dma_wait3A_217 = arith.constant 0 : i32
          %dma_wait3A_218 = tpu.memref_slice %arg5[%dma_wait3A_216, %dma_wait3A_217] : memref<819200x64xf32, #tpu.memory_space<hbm>> -> memref<200x64xf32, #tpu.memory_space<hbm>>
          %dma_wait3A_219 = arith.constant 0 : i32
          %dma_wait3A_220 = arith.constant 0 : i32
          %dma_wait3A_221 = tpu.memref_slice %arg5[%dma_wait3A_219, %dma_wait3A_220] : memref<819200x64xf32, #tpu.memory_space<hbm>> -> memref<200x64xf32, #tpu.memory_space<hbm>>
          tpu.wait_dma2 semaphore(%arg16 : memref<!tpu.dma_semaphore, #tpu.memory_space<semaphore_mem>>) src(%arg8 : memref<200x64xf32, #tpu.memory_space<vmem>>) dst(%dma_wait3A_221 : memref<200x64xf32, #tpu.memory_space<hbm>>)
        } else {
        }
        %dma_start3A_196 = arith.constant 0 : i32
        %dma_start3A_197 = arith.constant 0 : i32
        %dma_start3A_198 = arith.constant 0 : i32
        %dma_start3A_199 = tpu.memref_slice %arg8[%dma_start3A_197, %dma_start3A_198] : memref<200x64xf32, #tpu.memory_space<vmem>> -> memref<100x64xf32, #tpu.memory_space<vmem>>
        %dma_start3A_200 = arith.constant 0 : i32
        %dma_start3A_201 = tpu.memref_slice %arg6[%add3A_137, %dma_start3A_196, %dma_start3A_200] : memref<128x2x100xi32, #tpu.memory_space<vmem>> -> memref<1x1x100xi32, #tpu.memory_space<vmem>>
        %dma_start3A_202 = tpu.memref_squeeze %dma_start3A_201 : memref<1x1x100xi32, #tpu.memory_space<vmem>> -> memref<100xi32, #tpu.memory_space<vmem>>
        %dma_start3A_203 = arith.constant 0 : i32
        %dma_start3A_204 = arith.constant 0 : i32
        %dma_start3A_205 = tpu.memref_slice %arg3[%dma_start3A_203, %dma_start3A_204] : memref<1000000x64xf32, #tpu.memory_space<hbm>> -> memref<1000000x64xf32, #tpu.memory_space<hbm>>
        tpu.enqueue_indirect_dma source(%dma_start3A_205 : memref<1000000x64xf32, #tpu.memory_space<hbm>>) target(%dma_start3A_199 : memref<100x64xf32, #tpu.memory_space<vmem>>) offsets(%dma_start3A_202 : memref<100xi32, #tpu.memory_space<vmem>>) semaphore(%arg12 : memref<!tpu.dma_semaphore, #tpu.memory_space<semaphore_mem>>)
        %dma_start3A_206 = arith.constant 1 : i32
        %dma_start3A_207 = arith.constant 100 : i32
        %dma_start3A_208 = arith.constant 0 : i32
        %dma_start3A_209 = tpu.memref_slice %arg8[%dma_start3A_207, %dma_start3A_208] : memref<200x64xf32, #tpu.memory_space<vmem>> -> memref<100x64xf32, #tpu.memory_space<vmem>>
        %dma_start3A_210 = arith.constant 0 : i32
        %dma_start3A_211 = tpu.memref_slice %arg6[%add3A_137, %dma_start3A_206, %dma_start3A_210] : memref<128x2x100xi32, #tpu.memory_space<vmem>> -> memref<1x1x100xi32, #tpu.memory_space<vmem>>
        %dma_start3A_212 = tpu.memref_squeeze %dma_start3A_211 : memref<1x1x100xi32, #tpu.memory_space<vmem>> -> memref<100xi32, #tpu.memory_space<vmem>>
        %dma_start3A_213 = arith.constant 0 : i32
        %dma_start3A_214 = arith.constant 0 : i32
        %dma_start3A_215 = tpu.memref_slice %arg3[%dma_start3A_213, %dma_start3A_214] : memref<1000000x64xf32, #tpu.memory_space<hbm>> -> memref<1000000x64xf32, #tpu.memory_space<hbm>>
        tpu.enqueue_indirect_dma source(%dma_start3A_215 : memref<1000000x64xf32, #tpu.memory_space<hbm>>) target(%dma_start3A_209 : memref<100x64xf32, #tpu.memory_space<vmem>>) offsets(%dma_start3A_212 : memref<100xi32, #tpu.memory_space<vmem>>) semaphore(%arg12 : memref<!tpu.dma_semaphore, #tpu.memory_space<semaphore_mem>>)
      } else {
      }
      %dma_wait3A_143 = arith.constant 0 : i32
      %dma_wait3A_144 = arith.constant 0 : i32
      %dma_wait3A_145 = tpu.memref_slice %arg3[%dma_wait3A_143, %dma_wait3A_144] : memref<1000000x64xf32, #tpu.memory_space<hbm>> -> memref<200x64xf32, #tpu.memory_space<hbm>>
      %dma_wait3A_146 = arith.constant 0 : i32
      %dma_wait3A_147 = arith.constant 0 : i32
      %dma_wait3A_148 = tpu.memref_slice %arg3[%dma_wait3A_146, %dma_wait3A_147] : memref<1000000x64xf32, #tpu.memory_space<hbm>> -> memref<200x64xf32, #tpu.memory_space<hbm>>
      tpu.wait_dma2 semaphore(%arg14 : memref<!tpu.dma_semaphore, #tpu.memory_space<semaphore_mem>>) src(%dma_wait3A_148 : memref<200x64xf32, #tpu.memory_space<hbm>>) dst(%arg10 : memref<200x64xf32, #tpu.memory_space<vmem>>)
      %scan3A_149 = arith.constant 0 : i32
      %scan3A_150 = arith.constant 0 : i32
      %scan3A_151 = arith.constant 200 : i32
      %scan3A_152 = arith.addi %scan3A_150, %scan3A_151 : i32
      %scan3A_153 = arith.constant 2 : i32
      scf.for %scan3A_192 = %scan3A_150 to %scan3A_152 step %scan3A_153  : i32 {
        %get3A = arith.index_cast %scan3A_192 : i32 to index
        %get3A_193 = arith.constant 0 : index
        %get3A_194 = tpu.vector_load %arg7[%get3A, %get3A_193] {strides = array<i32>} : memref<200x64xf32, #tpu.memory_space<vmem>>, vector<1x16xf32>,
        %get3A_195 = vector.shape_cast %get3A_194 : vector<1x16xf32> to vector<16xf32>
        %swap3A = arith.index_cast %scan3A_192 : i32 to index
        %swap3A_196 = arith.constant 0 : index
        %swap3A_197 = tpu.vector_load %arg10[%swap3A, %swap3A_196] {strides = array<i32>} : memref<200x64xf32, #tpu.memory_space<vmem>>, vector<1x16xf32>,
        %swap3A_198 = vector.shape_cast %swap3A_197 : vector<1x16xf32> to vector<16xf32>
        %swap3A_199 = vector.shape_cast %get3A_195 : vector<16xf32> to vector<1x16xf32>
        tpu.vector_store %arg10[%swap3A, %swap3A_196], %swap3A_199 {add = true, strides = array<i32>} : memref<200x64xf32, #tpu.memory_space<vmem>>, vector<1x16xf32>,
        %get3A_200 = arith.index_cast %scan3A_192 : i32 to index
        %get3A_201 = arith.constant 16 : index
        %get3A_202 = tpu.vector_load %arg7[%get3A_200, %get3A_201] {strides = array<i32>} : memref<200x64xf32, #tpu.memory_space<vmem>>, vector<1x16xf32>,
        %get3A_203 = vector.shape_cast %get3A_202 : vector<1x16xf32> to vector<16xf32>
        %swap3A_204 = arith.index_cast %scan3A_192 : i32 to index
        %swap3A_205 = arith.constant 16 : index
        %swap3A_206 = tpu.vector_load %arg10[%swap3A_204, %swap3A_205] {strides = array<i32>} : memref<200x64xf32, #tpu.memory_space<vmem>>, vector<1x16xf32>,
        %swap3A_207 = vector.shape_cast %swap3A_206 : vector<1x16xf32> to vector<16xf32>
        %swap3A_208 = vector.shape_cast %get3A_203 : vector<16xf32> to vector<1x16xf32>
        tpu.vector_store %arg10[%swap3A_204, %swap3A_205], %swap3A_208 {add = true, strides = array<i32>} : memref<200x64xf32, #tpu.memory_space<vmem>>, vector<1x16xf32>,
        %get3A_209 = arith.index_cast %scan3A_192 : i32 to index
        %get3A_210 = arith.constant 32 : index
        %get3A_211 = tpu.vector_load %arg7[%get3A_209, %get3A_210] {strides = array<i32>} : memref<200x64xf32, #tpu.memory_space<vmem>>, vector<1x16xf32>,
        %get3A_212 = vector.shape_cast %get3A_211 : vector<1x16xf32> to vector<16xf32>
        %swap3A_213 = arith.index_cast %scan3A_192 : i32 to index
        %swap3A_214 = arith.constant 32 : index
        %swap3A_215 = tpu.vector_load %arg10[%swap3A_213, %swap3A_214] {strides = array<i32>} : memref<200x64xf32, #tpu.memory_space<vmem>>, vector<1x16xf32>,
        %swap3A_216 = vector.shape_cast %swap3A_215 : vector<1x16xf32> to vector<16xf32>
        %swap3A_217 = vector.shape_cast %get3A_212 : vector<16xf32> to vector<1x16xf32>
        tpu.vector_store %arg10[%swap3A_213, %swap3A_214], %swap3A_217 {add = true, strides = array<i32>} : memref<200x64xf32, #tpu.memory_space<vmem>>, vector<1x16xf32>,
        %get3A_218 = arith.index_cast %scan3A_192 : i32 to index
        %get3A_219 = arith.constant 48 : index
        %get3A_220 = tpu.vector_load %arg7[%get3A_218, %get3A_219] {strides = array<i32>} : memref<200x64xf32, #tpu.memory_space<vmem>>, vector<1x16xf32>,
        %get3A_221 = vector.shape_cast %get3A_220 : vector<1x16xf32> to vector<16xf32>
        %swap3A_222 = arith.index_cast %scan3A_192 : i32 to index
        %swap3A_223 = arith.constant 48 : index
        %swap3A_224 = tpu.vector_load %arg10[%swap3A_222, %swap3A_223] {strides = array<i32>} : memref<200x64xf32, #tpu.memory_space<vmem>>, vector<1x16xf32>,
        %swap3A_225 = vector.shape_cast %swap3A_224 : vector<1x16xf32> to vector<16xf32>
        %swap3A_226 = vector.shape_cast %get3A_221 : vector<16xf32> to vector<1x16xf32>
        tpu.vector_store %arg10[%swap3A_222, %swap3A_223], %swap3A_226 {add = true, strides = array<i32>} : memref<200x64xf32, #tpu.memory_space<vmem>>, vector<1x16xf32>,
        %scan3A_227 = arith.constant 1 : i32
        %scan3A_228 = arith.addi %scan3A_192, %scan3A_227 : i32
        %get3A_229 = arith.index_cast %scan3A_228 : i32 to index
        %get3A_230 = arith.constant 0 : index
        %get3A_231 = tpu.vector_load %arg7[%get3A_229, %get3A_230] {strides = array<i32>} : memref<200x64xf32, #tpu.memory_space<vmem>>, vector<1x16xf32>,
        %get3A_232 = vector.shape_cast %get3A_231 : vector<1x16xf32> to vector<16xf32>
        %swap3A_233 = arith.index_cast %scan3A_228 : i32 to index
        %swap3A_234 = arith.constant 0 : index
        %swap3A_235 = tpu.vector_load %arg10[%swap3A_233, %swap3A_234] {strides = array<i32>} : memref<200x64xf32, #tpu.memory_space<vmem>>, vector<1x16xf32>,
        %swap3A_236 = vector.shape_cast %swap3A_235 : vector<1x16xf32> to vector<16xf32>
        %swap3A_237 = vector.shape_cast %get3A_232 : vector<16xf32> to vector<1x16xf32>
        tpu.vector_store %arg10[%swap3A_233, %swap3A_234], %swap3A_237 {add = true, strides = array<i32>} : memref<200x64xf32, #tpu.memory_space<vmem>>, vector<1x16xf32>,
        %get3A_238 = arith.index_cast %scan3A_228 : i32 to index
        %get3A_239 = arith.constant 16 : index
        %get3A_240 = tpu.vector_load %arg7[%get3A_238, %get3A_239] {strides = array<i32>} : memref<200x64xf32, #tpu.memory_space<vmem>>, vector<1x16xf32>,
        %get3A_241 = vector.shape_cast %get3A_240 : vector<1x16xf32> to vector<16xf32>
        %swap3A_242 = arith.index_cast %scan3A_228 : i32 to index
        %swap3A_243 = arith.constant 16 : index
        %swap3A_244 = tpu.vector_load %arg10[%swap3A_242, %swap3A_243] {strides = array<i32>} : memref<200x64xf32, #tpu.memory_space<vmem>>, vector<1x16xf32>,
        %swap3A_245 = vector.shape_cast %swap3A_244 : vector<1x16xf32> to vector<16xf32>
        %swap3A_246 = vector.shape_cast %get3A_241 : vector<16xf32> to vector<1x16xf32>
        tpu.vector_store %arg10[%swap3A_242, %swap3A_243], %swap3A_246 {add = true, strides = array<i32>} : memref<200x64xf32, #tpu.memory_space<vmem>>, vector<1x16xf32>,
        %get3A_247 = arith.index_cast %scan3A_228 : i32 to index
        %get3A_248 = arith.constant 32 : index
        %get3A_249 = tpu.vector_load %arg7[%get3A_247, %get3A_248] {strides = array<i32>} : memref<200x64xf32, #tpu.memory_space<vmem>>, vector<1x16xf32>,
        %get3A_250 = vector.shape_cast %get3A_249 : vector<1x16xf32> to vector<16xf32>
        %swap3A_251 = arith.index_cast %scan3A_228 : i32 to index
        %swap3A_252 = arith.constant 32 : index
        %swap3A_253 = tpu.vector_load %arg10[%swap3A_251, %swap3A_252] {strides = array<i32>} : memref<200x64xf32, #tpu.memory_space<vmem>>, vector<1x16xf32>,
        %swap3A_254 = vector.shape_cast %swap3A_253 : vector<1x16xf32> to vector<16xf32>
        %swap3A_255 = vector.shape_cast %get3A_250 : vector<16xf32> to vector<1x16xf32>
        tpu.vector_store %arg10[%swap3A_251, %swap3A_252], %swap3A_255 {add = true, strides = array<i32>} : memref<200x64xf32, #tpu.memory_space<vmem>>, vector<1x16xf32>,
        %get3A_256 = arith.index_cast %scan3A_228 : i32 to index
        %get3A_257 = arith.constant 48 : index
        %get3A_258 = tpu.vector_load %arg7[%get3A_256, %get3A_257] {strides = array<i32>} : memref<200x64xf32, #tpu.memory_space<vmem>>, vector<1x16xf32>,
        %get3A_259 = vector.shape_cast %get3A_258 : vector<1x16xf32> to vector<16xf32>
        %swap3A_260 = arith.index_cast %scan3A_228 : i32 to index
        %swap3A_261 = arith.constant 48 : index
        %swap3A_262 = tpu.vector_load %arg10[%swap3A_260, %swap3A_261] {strides = array<i32>} : memref<200x64xf32, #tpu.memory_space<vmem>>, vector<1x16xf32>,
        %swap3A_263 = vector.shape_cast %swap3A_262 : vector<1x16xf32> to vector<16xf32>
        %swap3A_264 = vector.shape_cast %get3A_259 : vector<16xf32> to vector<1x16xf32>
        tpu.vector_store %arg10[%swap3A_260, %swap3A_261], %swap3A_264 {add = true, strides = array<i32>} : memref<200x64xf32, #tpu.memory_space<vmem>>, vector<1x16xf32>,
      }
      %scan3A_154 = arith.constant 200 : i32
      %add3A_155 = arith.addi %mul3A_2, %add3A_135 : i32
      %mul3A_156 = arith.constant 200 : i32
      %mul3A_157 = arith.muli %add3A_155, %mul3A_156 : i32
      %dma_start3A_158 = arith.constant 0 : i32
      %dma_start3A_159 = tpu.memref_slice %arg5[%mul3A_157, %dma_start3A_158] : memref<819200x64xf32, #tpu.memory_space<hbm>> -> memref<200x64xf32, #tpu.memory_space<hbm>>
      %dma_start3A_160 = arith.constant 0 : i32
      %dma_start3A_161 = tpu.memref_slice %arg5[%mul3A_157, %dma_start3A_160] : memref<819200x64xf32, #tpu.memory_space<hbm>> -> memref<200x64xf32, #tpu.memory_space<hbm>>
      tpu.enqueue_dma source(%arg10 : memref<200x64xf32, #tpu.memory_space<vmem>>) target(%dma_start3A_161 : memref<200x64xf32, #tpu.memory_space<hbm>>) target_semaphore(%arg18 : memref<!tpu.dma_semaphore, #tpu.memory_space<semaphore_mem>>)
      %mul3A_162 = arith.constant 4 : i32
      %mul3A_163 = arith.muli %scan3A_74, %mul3A_162 : i32
      %add3A_164 = arith.constant 3 : i32
      %add3A_165 = arith.addi %mul3A_163, %add3A_164 : i32
      %add3A_166 = arith.constant 2 : i32
      %add3A_167 = arith.addi %add3A_165, %add3A_166 : i32
      %lt3A_168 = arith.constant 128 : i32
      %lt3A_169 = arith.cmpi slt, %add3A_167, %lt3A_168 : i32
      %convert_element_type3A_170 = arith.extui %lt3A_169 : i1 to i32
      %cond3A_171 = arith.constant 0 : i32
      %cond3A_172 = arith.cmpi ne, %convert_element_type3A_170, %cond3A_171 : i32
      scf.if %cond3A_172 {
        %ge3A = arith.constant 2 : i32
        %ge3A_192 = arith.cmpi sge, %add3A_165, %ge3A : i32
        %convert_element_type3A_193 = arith.extui %ge3A_192 : i1 to i32
        %cond3A_194 = arith.constant 0 : i32
        %cond3A_195 = arith.cmpi ne, %convert_element_type3A_193, %cond3A_194 : i32
        scf.if %cond3A_195 {
          %dma_wait3A_216 = arith.constant 0 : i32
          %dma_wait3A_217 = arith.constant 0 : i32
          %dma_wait3A_218 = tpu.memref_slice %arg5[%dma_wait3A_216, %dma_wait3A_217] : memref<819200x64xf32, #tpu.memory_space<hbm>> -> memref<200x64xf32, #tpu.memory_space<hbm>>
          %dma_wait3A_219 = arith.constant 0 : i32
          %dma_wait3A_220 = arith.constant 0 : i32
          %dma_wait3A_221 = tpu.memref_slice %arg5[%dma_wait3A_219, %dma_wait3A_220] : memref<819200x64xf32, #tpu.memory_space<hbm>> -> memref<200x64xf32, #tpu.memory_space<hbm>>
          tpu.wait_dma2 semaphore(%arg17 : memref<!tpu.dma_semaphore, #tpu.memory_space<semaphore_mem>>) src(%arg9 : memref<200x64xf32, #tpu.memory_space<vmem>>) dst(%dma_wait3A_221 : memref<200x64xf32, #tpu.memory_space<hbm>>)
        } else {
        }
        %dma_start3A_196 = arith.constant 0 : i32
        %dma_start3A_197 = arith.constant 0 : i32
        %dma_start3A_198 = arith.constant 0 : i32
        %dma_start3A_199 = tpu.memref_slice %arg9[%dma_start3A_197, %dma_start3A_198] : memref<200x64xf32, #tpu.memory_space<vmem>> -> memref<100x64xf32, #tpu.memory_space<vmem>>
        %dma_start3A_200 = arith.constant 0 : i32
        %dma_start3A_201 = tpu.memref_slice %arg6[%add3A_167, %dma_start3A_196, %dma_start3A_200] : memref<128x2x100xi32, #tpu.memory_space<vmem>> -> memref<1x1x100xi32, #tpu.memory_space<vmem>>
        %dma_start3A_202 = tpu.memref_squeeze %dma_start3A_201 : memref<1x1x100xi32, #tpu.memory_space<vmem>> -> memref<100xi32, #tpu.memory_space<vmem>>
        %dma_start3A_203 = arith.constant 0 : i32
        %dma_start3A_204 = arith.constant 0 : i32
        %dma_start3A_205 = tpu.memref_slice %arg3[%dma_start3A_203, %dma_start3A_204] : memref<1000000x64xf32, #tpu.memory_space<hbm>> -> memref<1000000x64xf32, #tpu.memory_space<hbm>>
        tpu.enqueue_indirect_dma source(%dma_start3A_205 : memref<1000000x64xf32, #tpu.memory_space<hbm>>) target(%dma_start3A_199 : memref<100x64xf32, #tpu.memory_space<vmem>>) offsets(%dma_start3A_202 : memref<100xi32, #tpu.memory_space<vmem>>) semaphore(%arg13 : memref<!tpu.dma_semaphore, #tpu.memory_space<semaphore_mem>>)
        %dma_start3A_206 = arith.constant 1 : i32
        %dma_start3A_207 = arith.constant 100 : i32
        %dma_start3A_208 = arith.constant 0 : i32
        %dma_start3A_209 = tpu.memref_slice %arg9[%dma_start3A_207, %dma_start3A_208] : memref<200x64xf32, #tpu.memory_space<vmem>> -> memref<100x64xf32, #tpu.memory_space<vmem>>
        %dma_start3A_210 = arith.constant 0 : i32
        %dma_start3A_211 = tpu.memref_slice %arg6[%add3A_167, %dma_start3A_206, %dma_start3A_210] : memref<128x2x100xi32, #tpu.memory_space<vmem>> -> memref<1x1x100xi32, #tpu.memory_space<vmem>>
        %dma_start3A_212 = tpu.memref_squeeze %dma_start3A_211 : memref<1x1x100xi32, #tpu.memory_space<vmem>> -> memref<100xi32, #tpu.memory_space<vmem>>
        %dma_start3A_213 = arith.constant 0 : i32
        %dma_start3A_214 = arith.constant 0 : i32
        %dma_start3A_215 = tpu.memref_slice %arg3[%dma_start3A_213, %dma_start3A_214] : memref<1000000x64xf32, #tpu.memory_space<hbm>> -> memref<1000000x64xf32, #tpu.memory_space<hbm>>
        tpu.enqueue_indirect_dma source(%dma_start3A_215 : memref<1000000x64xf32, #tpu.memory_space<hbm>>) target(%dma_start3A_209 : memref<100x64xf32, #tpu.memory_space<vmem>>) offsets(%dma_start3A_212 : memref<100xi32, #tpu.memory_space<vmem>>) semaphore(%arg13 : memref<!tpu.dma_semaphore, #tpu.memory_space<semaphore_mem>>)
      } else {
      }
      %dma_wait3A_173 = arith.constant 0 : i32
      %dma_wait3A_174 = arith.constant 0 : i32
      %dma_wait3A_175 = tpu.memref_slice %arg3[%dma_wait3A_173, %dma_wait3A_174] : memref<1000000x64xf32, #tpu.memory_space<hbm>> -> memref<200x64xf32, #tpu.memory_space<hbm>>
      %dma_wait3A_176 = arith.constant 0 : i32
      %dma_wait3A_177 = arith.constant 0 : i32
      %dma_wait3A_178 = tpu.memref_slice %arg3[%dma_wait3A_176, %dma_wait3A_177] : memref<1000000x64xf32, #tpu.memory_space<hbm>> -> memref<200x64xf32, #tpu.memory_space<hbm>>
      tpu.wait_dma2 semaphore(%arg15 : memref<!tpu.dma_semaphore, #tpu.memory_space<semaphore_mem>>) src(%dma_wait3A_178 : memref<200x64xf32, #tpu.memory_space<hbm>>) dst(%arg11 : memref<200x64xf32, #tpu.memory_space<vmem>>)
      %scan3A_179 = arith.constant 0 : i32
      %scan3A_180 = arith.constant 0 : i32
      %scan3A_181 = arith.constant 200 : i32
      %scan3A_182 = arith.addi %scan3A_180, %scan3A_181 : i32
      %scan3A_183 = arith.constant 2 : i32
      scf.for %scan3A_192 = %scan3A_180 to %scan3A_182 step %scan3A_183  : i32 {
        %get3A = arith.index_cast %scan3A_192 : i32 to index
        %get3A_193 = arith.constant 0 : index
        %get3A_194 = tpu.vector_load %arg7[%get3A, %get3A_193] {strides = array<i32>} : memref<200x64xf32, #tpu.memory_space<vmem>>, vector<1x16xf32>,
        %get3A_195 = vector.shape_cast %get3A_194 : vector<1x16xf32> to vector<16xf32>
        %swap3A = arith.index_cast %scan3A_192 : i32 to index
        %swap3A_196 = arith.constant 0 : index
        %swap3A_197 = tpu.vector_load %arg11[%swap3A, %swap3A_196] {strides = array<i32>} : memref<200x64xf32, #tpu.memory_space<vmem>>, vector<1x16xf32>,
        %swap3A_198 = vector.shape_cast %swap3A_197 : vector<1x16xf32> to vector<16xf32>
        %swap3A_199 = vector.shape_cast %get3A_195 : vector<16xf32> to vector<1x16xf32>
        tpu.vector_store %arg11[%swap3A, %swap3A_196], %swap3A_199 {add = true, strides = array<i32>} : memref<200x64xf32, #tpu.memory_space<vmem>>, vector<1x16xf32>,
        %get3A_200 = arith.index_cast %scan3A_192 : i32 to index
        %get3A_201 = arith.constant 16 : index
        %get3A_202 = tpu.vector_load %arg7[%get3A_200, %get3A_201] {strides = array<i32>} : memref<200x64xf32, #tpu.memory_space<vmem>>, vector<1x16xf32>,
        %get3A_203 = vector.shape_cast %get3A_202 : vector<1x16xf32> to vector<16xf32>
        %swap3A_204 = arith.index_cast %scan3A_192 : i32 to index
        %swap3A_205 = arith.constant 16 : index
        %swap3A_206 = tpu.vector_load %arg11[%swap3A_204, %swap3A_205] {strides = array<i32>} : memref<200x64xf32, #tpu.memory_space<vmem>>, vector<1x16xf32>,
        %swap3A_207 = vector.shape_cast %swap3A_206 : vector<1x16xf32> to vector<16xf32>
        %swap3A_208 = vector.shape_cast %get3A_203 : vector<16xf32> to vector<1x16xf32>
        tpu.vector_store %arg11[%swap3A_204, %swap3A_205], %swap3A_208 {add = true, strides = array<i32>} : memref<200x64xf32, #tpu.memory_space<vmem>>, vector<1x16xf32>,
        %get3A_209 = arith.index_cast %scan3A_192 : i32 to index
        %get3A_210 = arith.constant 32 : index
        %get3A_211 = tpu.vector_load %arg7[%get3A_209, %get3A_210] {strides = array<i32>} : memref<200x64xf32, #tpu.memory_space<vmem>>, vector<1x16xf32>,
        %get3A_212 = vector.shape_cast %get3A_211 : vector<1x16xf32> to vector<16xf32>
        %swap3A_213 = arith.index_cast %scan3A_192 : i32 to index
        %swap3A_214 = arith.constant 32 : index
        %swap3A_215 = tpu.vector_load %arg11[%swap3A_213, %swap3A_214] {strides = array<i32>} : memref<200x64xf32, #tpu.memory_space<vmem>>, vector<1x16xf32>,
        %swap3A_216 = vector.shape_cast %swap3A_215 : vector<1x16xf32> to vector<16xf32>
        %swap3A_217 = vector.shape_cast %get3A_212 : vector<16xf32> to vector<1x16xf32>
        tpu.vector_store %arg11[%swap3A_213, %swap3A_214], %swap3A_217 {add = true, strides = array<i32>} : memref<200x64xf32, #tpu.memory_space<vmem>>, vector<1x16xf32>,
        %get3A_218 = arith.index_cast %scan3A_192 : i32 to index
        %get3A_219 = arith.constant 48 : index
        %get3A_220 = tpu.vector_load %arg7[%get3A_218, %get3A_219] {strides = array<i32>} : memref<200x64xf32, #tpu.memory_space<vmem>>, vector<1x16xf32>,
        %get3A_221 = vector.shape_cast %get3A_220 : vector<1x16xf32> to vector<16xf32>
        %swap3A_222 = arith.index_cast %scan3A_192 : i32 to index
        %swap3A_223 = arith.constant 48 : index
        %swap3A_224 = tpu.vector_load %arg11[%swap3A_222, %swap3A_223] {strides = array<i32>} : memref<200x64xf32, #tpu.memory_space<vmem>>, vector<1x16xf32>,
        %swap3A_225 = vector.shape_cast %swap3A_224 : vector<1x16xf32> to vector<16xf32>
        %swap3A_226 = vector.shape_cast %get3A_221 : vector<16xf32> to vector<1x16xf32>
        tpu.vector_store %arg11[%swap3A_222, %swap3A_223], %swap3A_226 {add = true, strides = array<i32>} : memref<200x64xf32, #tpu.memory_space<vmem>>, vector<1x16xf32>,
        %scan3A_227 = arith.constant 1 : i32
        %scan3A_228 = arith.addi %scan3A_192, %scan3A_227 : i32
        %get3A_229 = arith.index_cast %scan3A_228 : i32 to index
        %get3A_230 = arith.constant 0 : index
        %get3A_231 = tpu.vector_load %arg7[%get3A_229, %get3A_230] {strides = array<i32>} : memref<200x64xf32, #tpu.memory_space<vmem>>, vector<1x16xf32>,
        %get3A_232 = vector.shape_cast %get3A_231 : vector<1x16xf32> to vector<16xf32>
        %swap3A_233 = arith.index_cast %scan3A_228 : i32 to index
        %swap3A_234 = arith.constant 0 : index
        %swap3A_235 = tpu.vector_load %arg11[%swap3A_233, %swap3A_234] {strides = array<i32>} : memref<200x64xf32, #tpu.memory_space<vmem>>, vector<1x16xf32>,
        %swap3A_236 = vector.shape_cast %swap3A_235 : vector<1x16xf32> to vector<16xf32>
        %swap3A_237 = vector.shape_cast %get3A_232 : vector<16xf32> to vector<1x16xf32>
        tpu.vector_store %arg11[%swap3A_233, %swap3A_234], %swap3A_237 {add = true, strides = array<i32>} : memref<200x64xf32, #tpu.memory_space<vmem>>, vector<1x16xf32>,
        %get3A_238 = arith.index_cast %scan3A_228 : i32 to index
        %get3A_239 = arith.constant 16 : index
        %get3A_240 = tpu.vector_load %arg7[%get3A_238, %get3A_239] {strides = array<i32>} : memref<200x64xf32, #tpu.memory_space<vmem>>, vector<1x16xf32>,
        %get3A_241 = vector.shape_cast %get3A_240 : vector<1x16xf32> to vector<16xf32>
        %swap3A_242 = arith.index_cast %scan3A_228 : i32 to index
        %swap3A_243 = arith.constant 16 : index
        %swap3A_244 = tpu.vector_load %arg11[%swap3A_242, %swap3A_243] {strides = array<i32>} : memref<200x64xf32, #tpu.memory_space<vmem>>, vector<1x16xf32>,
        %swap3A_245 = vector.shape_cast %swap3A_244 : vector<1x16xf32> to vector<16xf32>
        %swap3A_246 = vector.shape_cast %get3A_241 : vector<16xf32> to vector<1x16xf32>
        tpu.vector_store %arg11[%swap3A_242, %swap3A_243], %swap3A_246 {add = true, strides = array<i32>} : memref<200x64xf32, #tpu.memory_space<vmem>>, vector<1x16xf32>,
        %get3A_247 = arith.index_cast %scan3A_228 : i32 to index
        %get3A_248 = arith.constant 32 : index
        %get3A_249 = tpu.vector_load %arg7[%get3A_247, %get3A_248] {strides = array<i32>} : memref<200x64xf32, #tpu.memory_space<vmem>>, vector<1x16xf32>,
        %get3A_250 = vector.shape_cast %get3A_249 : vector<1x16xf32> to vector<16xf32>
        %swap3A_251 = arith.index_cast %scan3A_228 : i32 to index
        %swap3A_252 = arith.constant 32 : index
        %swap3A_253 = tpu.vector_load %arg11[%swap3A_251, %swap3A_252] {strides = array<i32>} : memref<200x64xf32, #tpu.memory_space<vmem>>, vector<1x16xf32>,
        %swap3A_254 = vector.shape_cast %swap3A_253 : vector<1x16xf32> to vector<16xf32>
        %swap3A_255 = vector.shape_cast %get3A_250 : vector<16xf32> to vector<1x16xf32>
        tpu.vector_store %arg11[%swap3A_251, %swap3A_252], %swap3A_255 {add = true, strides = array<i32>} : memref<200x64xf32, #tpu.memory_space<vmem>>, vector<1x16xf32>,
        %get3A_256 = arith.index_cast %scan3A_228 : i32 to index
        %get3A_257 = arith.constant 48 : index
        %get3A_258 = tpu.vector_load %arg7[%get3A_256, %get3A_257] {strides = array<i32>} : memref<200x64xf32, #tpu.memory_space<vmem>>, vector<1x16xf32>,
        %get3A_259 = vector.shape_cast %get3A_258 : vector<1x16xf32> to vector<16xf32>
        %swap3A_260 = arith.index_cast %scan3A_228 : i32 to index
        %swap3A_261 = arith.constant 48 : index
        %swap3A_262 = tpu.vector_load %arg11[%swap3A_260, %swap3A_261] {strides = array<i32>} : memref<200x64xf32, #tpu.memory_space<vmem>>, vector<1x16xf32>,
        %swap3A_263 = vector.shape_cast %swap3A_262 : vector<1x16xf32> to vector<16xf32>
        %swap3A_264 = vector.shape_cast %get3A_259 : vector<16xf32> to vector<1x16xf32>
        tpu.vector_store %arg11[%swap3A_260, %swap3A_261], %swap3A_264 {add = true, strides = array<i32>} : memref<200x64xf32, #tpu.memory_space<vmem>>, vector<1x16xf32>,
      }
      %scan3A_184 = arith.constant 200 : i32
      %add3A_185 = arith.addi %mul3A_2, %add3A_165 : i32
      %mul3A_186 = arith.constant 200 : i32
      %mul3A_187 = arith.muli %add3A_185, %mul3A_186 : i32
      %dma_start3A_188 = arith.constant 0 : i32
      %dma_start3A_189 = tpu.memref_slice %arg5[%mul3A_187, %dma_start3A_188] : memref<819200x64xf32, #tpu.memory_space<hbm>> -> memref<200x64xf32, #tpu.memory_space<hbm>>
      %dma_start3A_190 = arith.constant 0 : i32
      %dma_start3A_191 = tpu.memref_slice %arg5[%mul3A_187, %dma_start3A_190] : memref<819200x64xf32, #tpu.memory_space<hbm>> -> memref<200x64xf32, #tpu.memory_space<hbm>>
      tpu.enqueue_dma source(%arg11 : memref<200x64xf32, #tpu.memory_space<vmem>>) target(%dma_start3A_191 : memref<200x64xf32, #tpu.memory_space<hbm>>) target_semaphore(%arg19 : memref<!tpu.dma_semaphore, #tpu.memory_space<semaphore_mem>>)
    }
    %scan3A_50 = arith.constant 32 : i32
    %dma_wait3A = arith.constant 0 : i32
    %dma_wait3A_51 = arith.constant 0 : i32
    %dma_wait3A_52 = tpu.memref_slice %arg5[%dma_wait3A, %dma_wait3A_51] : memref<819200x64xf32, #tpu.memory_space<hbm>> -> memref<200x64xf32, #tpu.memory_space<hbm>>
    %dma_wait3A_53 = arith.constant 0 : i32
    %dma_wait3A_54 = arith.constant 0 : i32
    %dma_wait3A_55 = tpu.memref_slice %arg5[%dma_wait3A_53, %dma_wait3A_54] : memref<819200x64xf32, #tpu.memory_space<hbm>> -> memref<200x64xf32, #tpu.memory_space<hbm>>
    tpu.wait_dma2 semaphore(%arg16 : memref<!tpu.dma_semaphore, #tpu.memory_space<semaphore_mem>>) src(%arg8 : memref<200x64xf32, #tpu.memory_space<vmem>>) dst(%dma_wait3A_55 : memref<200x64xf32, #tpu.memory_space<hbm>>)
    %dma_wait3A_56 = arith.constant 0 : i32
    %dma_wait3A_57 = arith.constant 0 : i32
    %dma_wait3A_58 = tpu.memref_slice %arg5[%dma_wait3A_56, %dma_wait3A_57] : memref<819200x64xf32, #tpu.memory_space<hbm>> -> memref<200x64xf32, #tpu.memory_space<hbm>>
    %dma_wait3A_59 = arith.constant 0 : i32
    %dma_wait3A_60 = arith.constant 0 : i32
    %dma_wait3A_61 = tpu.memref_slice %arg5[%dma_wait3A_59, %dma_wait3A_60] : memref<819200x64xf32, #tpu.memory_space<hbm>> -> memref<200x64xf32, #tpu.memory_space<hbm>>
    tpu.wait_dma2 semaphore(%arg17 : memref<!tpu.dma_semaphore, #tpu.memory_space<semaphore_mem>>) src(%arg9 : memref<200x64xf32, #tpu.memory_space<vmem>>) dst(%dma_wait3A_61 : memref<200x64xf32, #tpu.memory_space<hbm>>)
    %dma_wait3A_62 = arith.constant 0 : i32
    %dma_wait3A_63 = arith.constant 0 : i32
    %dma_wait3A_64 = tpu.memref_slice %arg5[%dma_wait3A_62, %dma_wait3A_63] : memref<819200x64xf32, #tpu.memory_space<hbm>> -> memref<200x64xf32, #tpu.memory_space<hbm>>
    %dma_wait3A_65 = arith.constant 0 : i32
    %dma_wait3A_66 = arith.constant 0 : i32
    %dma_wait3A_67 = tpu.memref_slice %arg5[%dma_wait3A_65, %dma_wait3A_66] : memref<819200x64xf32, #tpu.memory_space<hbm>> -> memref<200x64xf32, #tpu.memory_space<hbm>>
    tpu.wait_dma2 semaphore(%arg18 : memref<!tpu.dma_semaphore, #tpu.memory_space<semaphore_mem>>) src(%arg10 : memref<200x64xf32, #tpu.memory_space<vmem>>) dst(%dma_wait3A_67 : memref<200x64xf32, #tpu.memory_space<hbm>>)
    %dma_wait3A_68 = arith.constant 0 : i32
    %dma_wait3A_69 = arith.constant 0 : i32
    %dma_wait3A_70 = tpu.memref_slice %arg5[%dma_wait3A_68, %dma_wait3A_69] : memref<819200x64xf32, #tpu.memory_space<hbm>> -> memref<200x64xf32, #tpu.memory_space<hbm>>
    %dma_wait3A_71 = arith.constant 0 : i32
    %dma_wait3A_72 = arith.constant 0 : i32
    %dma_wait3A_73 = tpu.memref_slice %arg5[%dma_wait3A_71, %dma_wait3A_72] : memref<819200x64xf32, #tpu.memory_space<hbm>> -> memref<200x64xf32, #tpu.memory_space<hbm>>
    tpu.wait_dma2 semaphore(%arg19 : memref<!tpu.dma_semaphore, #tpu.memory_space<semaphore_mem>>) src(%arg11 : memref<200x64xf32, #tpu.memory_space<vmem>>) dst(%dma_wait3A_73 : memref<200x64xf32, #tpu.memory_space<hbm>>)
    return
  }
}

</mosaic_0001>

<sc_bundles>
// kernel: kernel.3.cloned.1.call-start
scs
__scs_entry_jumppad:
0x0: {  	(pc) =	sbr.rel $0x88, $3  }
0x1: {  	(tag) =	ssettag $0x0;
	lr =	simm.s32 $0x1  }
0x2: {  	[smem:$0x3F9E] =	sst lr;
	_ =	strace $0xD0000000  }
0x3: {  	_ = 	snop  }
0x4: {  	_ = 	snop  }
0x5: {  	_ = 	snop  }
0x6: {  	_ = 	snop  }
0x7: {  	_ = 	snop  }
__scs_overlays_trampoline_lowered:
0x8: {  	[smem:$0x3FAD] =	sst s0  }
0x9: {  	[smem:$0x3FAE] =	sst s1  }
0xa: {  	[smem:$0x3FAF] =	sst s2  }
0xb: {  	[smem:$0x3FB0] =	sst s3  }
0xc: {  	[smem:$0x3FB1] =	sst s4  }
0xd: {  	[smem:$0x3FB2] =	sst s5  }
0xe: {  	[smem:$0x3FB3] =	sst s6  }
0xf: {  	[smem:$0x3FB4] =	sst s7  }
0x10: {  	[smem:$0x3FB5] =	sst s8  }
0x11: {  	[smem:$0x3FB6] =	sst s9;
	s0 =	simm.s32 @!p0 $0x0  }
0x12: {  	s1 =	sld [smem:$0x3F9C];
	s0 =	simm.s32 @p0 $0x1  }
0x13: {  	[smem:$0x3FB7] =	sst s0;
	s0 =	simm.s32 @!p1 $0x0  }
0x14: {  	s2 =	sld [smem:$0x3F9B];
	s0 =	simm.s32 @p1 $0x1  }
0x15: {  	[smem:$0x3FB8] =	sst s0;
	s0 =	simm.s32 @!p2 $0x0  }
0x16: {  	s3 =	sld [smem:$0x3FDB];
	s0 =	simm.s32 @p2 $0x1  }
0x17: {  	s4 =	simm.s32 $0x1BF5;
	[smem:$0x3FBA] =	sst s0  }
0x18: {  	s0 =	sld [smem:$0x3F9D];
	_ =	swait.ge [sflag:s4], $0x0  }
0x19: {  	s7 =	sld [smem:$0x3F9E]  }
0x1a: {  	s8 =	sadd.s32 $0xFFFFE003, lr  }
0x1b: {  	s9 =	sadd.s32 $0xFFFFFEF7, lr;
	s5 =	simm.s32 $0xFFFFFFFF;
	p2 =	slt.u32 s8, $0xFFFFF086  }
0x1c: {  	p1 =	slt.u32 s9, $0xF7A;
	s5 =	simm.s32 @!p2 $0x0  }
0x1d: {  	s5 =	simm.s32 @p1 $0x1;
	p0 =	seq.s32 s7, s2  }
0x1e: {  	s7 =	smul.u32 @!p0 $0xF7A, s2;
	p2 =	seq.s32 @!p0 s5, $0x0  }
0x1f: {  	s9 =	smul.u32 $0xF7A, s1;
	s8 =	simm.s32 @!p0 $0x1BF5;
	p2 =	por !p2, p0  }
0x20: {  	[sflag:s8] =	ssyncset.s32 @!p0 $0xFFFFF086;
	s6 =	sadd.s32 @!p0 s3, s7;
	s7 =	simm.s32 @!p0 $0x108  }
0x21: {  	s3 =	sadd.s32 s3, s9;
	s6 =	sadd.s32 @!p0 $0x88, s6;
	s7 =	simm.s32 @p2 $0x1082  }
0x22: {  	[simem:s7], [sflag:s8] =	dma.local @!p0 [hbm:s6], $0xF7A  }
0x23: {  	s9 =	sor.u32 $0xD0000000, s2;
	s6 =	simm.s32 $0x108;
	_ =	swait.ge @!p0 [sflag:s8], $0x0  }
0x24: {  	s3 =	sadd.s32 $0x88, s3;
	s6 =	simm.s32 @!p1 $0x1082;
	[sflag:s4] =	ssyncset.s32 $0xFFFFF086  }
0x25: {  	[simem:s6], [sflag:s4] =	dma.local [hbm:s3], $0xF7A  }
0x26: {  	[smem:$0x3F9E] =	sst s1;
	(tag) =	ssettag s2;
	_ =	strace s9  }
0x27: {  	s1 =	sld [smem:$0x3FAE]  }
0x28: {  	s2 =	sld [smem:$0x3FAF]  }
0x29: {  	s4 =	sld [smem:$0x3FB1]  }
0x2a: {  	p0 =	seq.s32 s5, $0x0;
	s5 =	sld [smem:$0x3FB2]  }
0x2b: {  	s6 =	sld [smem:$0x3FB3]  }
0x2c: {  	s7 =	sld [smem:$0x3FB4]  }
0x2d: {  	s3 =	simm.s32 $0x108;
	s8 =	sld [smem:$0x3FB5]  }
0x2e: {  	s3 =	simm.s32 @!p0 $0x1082;
	s9 =	sld [smem:$0x3FB6]  }
0x2f: {  	lr =	sadd.s32 s0, s3;
	s0 =	sld [smem:$0x3FAD]  }
0x30: {  	s3 =	sld [smem:$0x3FB0]  }
0x31: {  	[smem:$0x3FB9] =	sst s10  }
0x32: {  	s10 =	sld [smem:$0x3FB7];
	_ =	sdelay $0x3  }
0x33: {  	p0 =	seq.s32 s10, $0x1;
	s10 =	sld [smem:$0x3FB9];
	_ =	sdelay $0x3  }
0x34: {  	[smem:$0x3FB9] =	sst s10  }
0x35: {  	s10 =	sld [smem:$0x3FB8];
	_ =	sdelay $0x3  }
0x36: {  	p1 =	seq.s32 s10, $0x1;
	s10 =	sld [smem:$0x3FB9];
	_ =	sdelay $0x3  }
0x37: {  	[smem:$0x3FB9] =	sst s10  }
0x38: {  	s10 =	sld [smem:$0x3FBA]  }
0x39: {  	_ = 	snop;
	(pc) =	sbr.ind lr, $3  }
0x3a: {  	_ = 	snop  }
0x3b: {  	_ = 	snop  }
0x3c: {  	p2 =	seq.s32 s10, $0x1;
	s10 =	sld [smem:$0x3FB9]  }
0x3d: {  	_ =	shalt  }
0x3e: {  	_ =	shalt  }
0x3f: {  	_ =	shalt  }
0x40: {  	_ =	shalt  }
0x41: {  	_ =	shalt  }
0x42: {  	_ =	shalt  }
0x43: {  	_ =	shalt  }
0x44: {  	_ =	shalt  }
0x45: {  	_ =	shalt  }
0x46: {  	_ =	shalt  }
0x47: {  	_ =	shalt  }
0x48: {  	_ =	shalt  }
0x49: {  	_ =	shalt  }
0x4a: {  	_ =	shalt  }
0x4b: {  	_ =	shalt  }
0x4c: {  	_ =	shalt  }
0x4d: {  	_ =	shalt  }
0x4e: {  	_ =	shalt  }
0x4f: {  	_ =	shalt  }
0x50: {  	_ =	shalt  }
0x51: {  	_ =	shalt  }
0x52: {  	_ =	shalt  }
0x53: {  	_ =	shalt  }
0x54: {  	_ =	shalt  }
0x55: {  	_ =	shalt  }
0x56: {  	_ =	shalt  }
0x57: {  	_ =	shalt  }
0x58: {  	_ =	shalt  }
0x59: {  	_ =	shalt  }
0x5a: {  	_ =	shalt  }
0x5b: {  	_ =	shalt  }
0x5c: {  	_ =	shalt  }
0x5d: {  	_ =	shalt  }
0x5e: {  	_ =	shalt  }
0x5f: {  	_ =	shalt  }
0x60: {  	_ =	shalt  }
0x61: {  	_ =	shalt  }
0x62: {  	_ =	shalt  }
0x63: {  	_ =	shalt  }
0x64: {  	_ =	shalt  }
0x65: {  	_ =	shalt  }
0x66: {  	_ =	shalt  }
0x67: {  	_ =	shalt  }
0x68: {  	_ =	shalt  }
0x69: {  	_ =	shalt  }
0x6a: {  	_ =	shalt  }
0x6b: {  	_ =	shalt  }
0x6c: {  	_ =	shalt  }
0x6d: {  	_ =	shalt  }
0x6e: {  	_ =	shalt  }
0x6f: {  	_ =	shalt  }
0x70: {  	_ =	shalt  }
0x71: {  	_ =	shalt  }
0x72: {  	_ =	shalt  }
0x73: {  	_ =	shalt  }
0x74: {  	_ =	shalt  }
0x75: {  	_ =	shalt  }
0x76: {  	_ =	shalt  }
0x77: {  	_ =	shalt  }
0x78: {  	_ =	shalt  }
0x79: {  	_ =	shalt  }
0x7a: {  	_ =	shalt  }
0x7b: {  	_ =	shalt  }
0x7c: {  	_ =	shalt  }
0x7d: {  	_ =	shalt  }
0x7e: {  	_ =	shalt  }
0x7f: {  	_ =	shalt  }
0x80: {  	_ =	shalt  }
0x81: {  	_ =	shalt  }
0x82: {  	_ =	shalt  }
0x83: {  	_ =	shalt  }
0x84: {  	_ =	shalt  }
0x85: {  	_ =	shalt  }
0x86: {  	_ =	shalt  }
0x87: {  	_ =	shalt  }
.Lfunc_end0:
.L_simem_size_0:
called_computation.1_lowered:
.L_overlay_start_0:
0x88: {  	s2 =	sld [smem:$0x3FD9]  }
0x89: {  	s3 =	sld [smem:$0x3FFE];
	_ =	sdelay $0x1  }
0x8a: {  	s1 =	srdreg.scid  }
0x8b: {  	s0 =	sand.u32 $0x1, s1  }
0x8c: {  	s17 =	sshll.u32 s0, $0xA;
	s2 =	sadd.s32 s3, s2  }
0x8d: {  	s2 =	sadd.s32 s2, s17  }
0x8e: {  	[smem:$0x3FC5] =	sst s2  }
0x8f: {  	_ = 	snop  }
0x90: {  	s2 =	sld [smem:$0x3FD0];
	(tm) =	ssettm $0x1  }
0x91: {  	s18 =	sld [smem:$0x3FFB];
	_ =	sdelay $0x3  }
0x92: {  	_ =	strace s18  }
0x93: {  	s3 =	sld [smem:$0x3FFC];
	_ =	sdelay $0x3  }
0x94: {  	_ =	strace s3  }
0x95: {  	s3 =	sld [smem:$0x3FFD];
	_ =	sdelay $0x3  }
0x96: {  	_ =	strace s3  }
0x97: {  	_ =	strace $0x8FFFFFFF  }
0x98: {  	s19 =	sld [smem:$0x3FDB];
	_ =	sdelay $0x1  }
0x99: {  	s4 =	simm.s32 $_scs_section_size  }
0x9a: {  	s5 =	simm.s32 $_size__tile_overlayer_lowered;
	s6 =	simm.s32 $_tile_overlayer_lowered  }
0x9b: {  	s22 =	simm.s32 $0x1BFF;
	s21 =	sshll.u32 s6, $0x1;
	s3 =	sadd.s32 s4, s19  }
0x9c: {  	s7 =	simm.s32 $0x0;
	s20 =	sshll.u32 s5, $0x1;
	s5 =	sadd.s32 s21, s3  }
0x9d: {  	[timem:s7], [sflag:s22] =	dma.local [hbm:s5], s20  }
0x9e: {  	_ =	swait.ge [sflag:s22], s20  }
0x9f: {  	s4 =	ssub.s32 $0x0, s20;
	[sflag:s22] =	ssyncset.done $0x0  }
0xa0: {  	[sflag:s22] =	ssyncadd.s32 s4;
	_ =	sdelay $0x1  }
0xa1: {  	s23 =	simm.s32 $0x1B8B  }
0xa2: {  	_ =	swait.ge [sflag:s23], $0x1  }
0xa3: {  	[sflag:s23] =	ssyncset.done $0x0  }
0xa4: {  	s25 =	simm.s32 $0x1B8E;
	s24 =	sld [smem:$0x3FFE];
	[sflag:s23] =	ssyncadd.s32 $0xFFFFFFFF  }
0xa5: {  	s26 =	simm.s32 $execute0_lowered;
	[smem:$0x3FD2] =	sst s25  }
0xa6: {  	s5 =	sshll.u32 s26, $0x1;
	_ =	strace $0x80000046;
	[dreg:$0x1] =	wrdreg $0xFFFFFFFF  }
0xa7: {  	s28 =	simm.s32 $_size_execute0_lowered;
	s3 =	sadd.s32 s3, s5;
	[dreg:$0x0] =	wrdreg $0x0  }
0xa8: {  	s5 =	sshll.u32 s28, $0x1;
	[dreg:$0x2] =	wrdreg s3  }
0xa9: {  	[dreg:$0x3] =	wrdreg s5  }
0xaa: {  	[dreg:$0x4] =	wrdreg $0xC0  }
0xab: {  	_ =	task [dreg:s7], $0x5FFFF  }
0xac: {  	[dreg:$0x1] =	wrdreg $0xFFFFFFFF  }
0xad: {  	[dreg:$0x0] =	wrdreg $0x60  }
0xae: {  	[dreg:$0x2] =	wrdreg s24  }
0xaf: {  	[dreg:$0x3] =	wrdreg s2  }
0xb0: {  	[dreg:$0x4] =	wrdreg $0x9  }
0xb1: {  	_ =	task.clear_ibuf [dreg:s7], $0x5FFFF;
	_ =	strace $0x90000046  }
0xb2: {  	s29 =	simm.s32 $0x9;
	_ =	strace $0x80000048  }
0xb3: {  	_ =	swait.ge [sflag:s29], $0x1  }
0xb4: {  	[sflag:s29] =	ssyncadd.s32 $0xFFFFFFFF  }
0xb5: {  	_ =	strace $0x90000048  }
0xb6: {  	_ =	sfence  }
0xb7: {  	s30 =	sld [smem:$0x0];
	_ =	sdelay $0x2  }
0xb8: {  	s31 =	sshll.u32 s1, $0xD;
	s1 =	sshrl.u32 s1, $0x2  }
0xb9: {  	s3 =	sand.u32 $0x4000, s31;
	s1 =	sadd.s32 s1, s30  }
0xba: {  	s0 =	sor.u32 s3, s0;
	s1 =	sshll.u32 s1, $0x11  }
0xbb: {  	s0 =	sor.u32 s1, s0  }
0xbc: {  	s0 =	sadd.s32 $0x8F2B, s0  }
0xbd: {  	[sflag:s0] =	ssyncadd.remote.s32 $0x1  }
0xbe: {  	_ =	sfence.sel $0xFFFF  }
0xbf: {  	[dreg:$0x0] =	wrdreg $0xFFFFFFFF;
	(pc) =	sbr.abs _section_cstart, $3  }
0xc0: {  	[dreg:$0x1] =	wrdreg $0xFFFFFFFF  }
0xc1: {  	_ =	task.clear_ibuf [dreg:s7], $0x2FFFF;
	_ =	strace $0x9FFFFFFF  }
0xc2: {  	(tm) =	ssettm $0x7FFFFFFF  }
0xc3: {  	_ =	shalt  }
tec
execute0_lowered:
.L_overlay_start_1:
0x0: {  	(tag) =	ssettag $0x1  }
0x1: {  	s0 =	srdreg.scid;
	s1 =	rddreg [dreg:$0x0]  }
0x2: {  	s3 =	stileid.u32;
	s2 =	rddreg [dreg:$0x1]  }
0x3: {  	s9 =	simm.s32 $0x9;
	s11 =	simm.s32 $0x64;
	s12 =	simm.s32 $0x9A00  }
0x4: {  	s16 =	simm.s32 $0xCC00;
	s19 =	simm.s32 $0xFE00;
	s20 =	simm.s32 $0x11700  }
0x5: {  	s21 =	simm.s32 $0x1;
	s22 =	simm.s32 $0x13000;
	s23 =	simm.s32 $0x14900  }
0x6: {  	s24 =	simm.s32 $0x2;
	s25 =	simm.s32 $0x3;
	s26 =	simm.s32 $0x4  }
0x7: {  	s28 =	simm.s32 $0x5;
	s29 =	simm.s32 $0x6;
	s0 =	sand.u32 $0x1, s0  }
0x8: {  	s30 =	simm.s32 $0x7;
	s4 =	sshll.u32 s3, $0x8;
	s5 =	sshll.u32 s0, $0x7  }
0x9: {  	s31 =	simm.s32 $0x8;
	s0 =	ssub.s32 $0x2, s0;
	s4 =	sor.u32 s5, s4  }
0xa: {  	s3 =	simm.s32 $0x0;
	s8 =	sshrl.u32 s0, $0x1;
	s5 =	smul.u32 $0x1A, s4  }
0xb: {  	s6 =	sadd.s32 $0x1AC00, s1;
	[smem:$0x7FF] =	sst s3;
	s0 =	ssub.s32 s0, s8  }
0xc: {  	_ =	strace $0x80000047;
	s8 =	smax.u32 s0, $0x1;
	s7 =	sadd.s32 s5, s1  }
0xd: {  	s5 =	sadd.s32 $0xF43000, s1;
	s1 =	simm.s32 $0x0;
	s7 =	sadd.s32 $0xC00, s7  }
.LBB2_1:
0xe: {  	[tilespmem:s3], [sflag:$0x9] =	stream.linear.gather [hbm4b:s7+s3], $0x6800, $0x38;
	[tilespmem:$0x16200] =	vst v63  }
0xf: {  	_ =	swait.ge [sflag:s9], $0x6800  }
0x10: {  	[sflag:s9] =	ssyncset.done $0x0  }
0x11: {  	s0 =	simm.s32 $0x6800;
	[sflag:s9] =	ssyncadd.s32 $0xFFFF9800  }
0x12: {  	[tilespmem:s0], [sflag:$0x9] =	stream.linear.gather [hbm4b:s6+s3], $0x3200, $0x38;
	[tilespmem:$0x16200] =	vst v63  }
0x13: {  	_ =	swait.ge [sflag:s9], $0x3200  }
0x14: {  	[sflag:s9] =	ssyncset.done $0x0  }
0x15: {  	[sflag:s9] =	ssyncadd.s32 $0xFFFFCE00  }
0x16: {  	[tilespmem:s12], [sflag:$0x1] =	stream.indirect.gather [hbm4b:s5+s11], $0x40, s3, s11, $0xb8;
	[tilespmem:$0x16200] =	vst v63  }
0x17: {  	s14 =	simm.s32 $0x68;
	s10 =	simm.s32 $0xB300  }
0x18: {  	[tilespmem:s10], [sflag:$0x1] =	stream.indirect.gather [hbm4b:s5+s11], $0x40, s14, s11, $0xb8;
	[tilespmem:$0x16200] =	vst v63  }
0x19: {  	s15 =	simm.s32 $0xD0  }
0x1a: {  	[tilespmem:s16], [sflag:$0x2] =	stream.indirect.gather [hbm4b:s5+s11], $0x40, s15, s11, $0xb8;
	[tilespmem:$0x16200] =	vst v63  }
0x1b: {  	s17 =	simm.s32 $0x138;
	s18 =	simm.s32 $0xE500;
	s0 =	simm.s32 $0x0  }
0x1c: {  	[tilespmem:s18], [sflag:$0x2] =	stream.indirect.gather [hbm4b:s5+s11], $0x40, s17, s11, $0xb8;
	[tilespmem:$0x16200] =	vst v63  }
.LBB2_2:
0x1d: {  	s14 =	sshll.u32 s0, $0x2;
	p0 =	seq.s32 s0, $0x0  }
0x1e: {  	s13 =	sor.u32 $0x2, s14;
	s10 =	simm.s32 @!p0 $0x7  }
0x1f: {  	_ =	swait.ge @!p0 [sflag:s10], $0x3200;
	s15 =	smul.u32 $0x340, s13  }
0x20: {  	[sflag:s10] =	ssyncset.done @!p0 $0x0  }
0x21: {  	[sflag:s10] =	ssyncadd.s32 @!p0 $0xFFFFCE00;
	s18 =	sshra.s32 s15, $0x2  }
0x22: {  	[tilespmem:s19], [sflag:$0x3] =	stream.indirect.gather [hbm4b:s5+s11], $0x40, s18, s11, $0xb8;
	[tilespmem:$0x16200] =	vst v63  }
0x23: {  	s10 =	sadd.s32 $0x68, s18  }
0x24: {  	[tilespmem:s20], [sflag:$0x3] =	stream.indirect.gather [hbm4b:s5+s11], $0x40, s10, s11, $0xb8;
	[tilespmem:$0x16200] =	vst v63  }
0x25: {  	_ =	swait.ge [sflag:s21], $0x3200  }
0x26: {  	[sflag:s21] =	ssyncset.done $0x0  }
0x27: {  	s10 =	simm.s32 $0x0;
	[sflag:s21] =	ssyncadd.s32 $0xFFFFCE00  }
0x28: {  	v0 =	vld [tilespmem:s10+$0x6870]  }
0x29: {  	v1 =	vld [tilespmem:s10+$0x6800]  }
0x2a: {  	v2 =	vld [tilespmem:s10+$0x6810]  }
0x2b: {  	v3 =	vld [tilespmem:s10+$0x6820]  }
0x2c: {  	v4 =	vld [tilespmem:s10+$0x6830]  }
0x2d: {  	v5 =	vld [tilespmem:s10+$0x6840]  }
0x2e: {  	v6 =	vld [tilespmem:s10+$0x6850]  }
0x2f: {  	[tilespmem:s10+$0x9A70] =	vst.add.f32.msk $0xffff, v0  }
0x30: {  	v0 =	vld [tilespmem:s10+$0x6860]  }
0x31: {  	[tilespmem:s10+$0x9A00] =	vst.add.f32.msk $0xffff, v1  }
0x32: {  	[tilespmem:s10+$0x9A10] =	vst.add.f32.msk $0xffff, v2  }
0x33: {  	[tilespmem:s10+$0x9A20] =	vst.add.f32.msk $0xffff, v3  }
0x34: {  	[tilespmem:s10+$0x9A30] =	vst.add.f32.msk $0xffff, v4  }
0x35: {  	[tilespmem:s10+$0x9A40] =	vst.add.f32.msk $0xffff, v5  }
0x36: {  	s17 =	simm.s32 $0x200;
	s15 =	simm.s32 $0x0;
	[tilespmem:s10+$0x9A50] =	vst.add.f32.msk $0xffff, v6  }
.LBB2_3:
0x37: {  	s15 =	sadd.s32 $0x2, s15;
	[tilespmem:s10+$0x9A60] =	vst.add.f32.msk $0xffff, v0;
	s10 =	sshra.s32 s17, $0x2  }
0x38: {  	v0 =	vld [tilespmem:s10+$0x6870];
	p1 =	slt.u32 s15, $0xC6  }
0x39: {  	v1 =	vld [tilespmem:s10+$0x6800]  }
0x3a: {  	v2 =	vld [tilespmem:s10+$0x6810]  }
0x3b: {  	v3 =	vld [tilespmem:s10+$0x6820]  }
0x3c: {  	v4 =	vld [tilespmem:s10+$0x6830]  }
0x3d: {  	[tilespmem:s10+$0x9A70] =	vst.add.f32.msk $0xffff, v0  }
0x3e: {  	v5 =	vld [tilespmem:s10+$0x6840]  }
0x3f: {  	v6 =	vld [tilespmem:s10+$0x6850]  }
0x40: {  	v0 =	vld [tilespmem:s10+$0x6860]  }
0x41: {  	[tilespmem:s10+$0x9A00] =	vst.add.f32.msk $0xffff, v1  }
.Ltmp0:
0x42: {  	[tilespmem:s10+$0x9A10] =	vst.add.f32.msk $0xffff, v2;
	(pc) =	sbr.rel @p1 .LBB2_3-.Ltmp0, $4  }
0x43: {  	[tilespmem:s10+$0x9A20] =	vst.add.f32.msk $0xffff, v3  }
0x44: {  	[tilespmem:s10+$0x9A30] =	vst.add.f32.msk $0xffff, v4  }
0x45: {  	[tilespmem:s10+$0x9A40] =	vst.add.f32.msk $0xffff, v5  }
0x46: {  	s17 =	sadd.s32 $0x200, s17;
	[tilespmem:s10+$0x9A50] =	vst.add.f32.msk $0xffff, v6  }
0x47: {  	s15 =	sadd.s32 s4, s14  }
0x48: {  	s15 =	smul.u32 $0x640, s15;
	_ =	sdelay $0x1  }
0x49: {  	[tilespmem:s10+$0x9A60] =	vst.add.f32.msk $0xffff, v0;
	s10 =	sor.u32 $0x3, s14;
	s17 =	sadd.s32 s2, s15;
	s15 =	simm.s32 @!p0 $0x8  }
0x4a: {  	[hbm4b:s17+s3] =	stream.linear.scatter [tilespmem:s12], [sflag:$0x5], $0x3200, $0x38;
	[tilespmem:$0x16200] =	vst v63  }
0x4b: {  	s17 =	smul.u32 $0x340, s10;
	_ =	swait.ge @!p0 [sflag:s15], $0x3200  }
0x4c: {  	[sflag:s15] =	ssyncset.done @!p0 $0x0  }
0x4d: {  	s18 =	sshra.s32 s17, $0x2;
	[sflag:s15] =	ssyncadd.s32 @!p0 $0xFFFFCE00  }
0x4e: {  	[tilespmem:s22], [sflag:$0x4] =	stream.indirect.gather [hbm4b:s5+s11], $0x40, s18, s11, $0xb8;
	[tilespmem:$0x16200] =	vst v63  }
0x4f: {  	s15 =	sadd.s32 $0x68, s18  }
0x50: {  	[tilespmem:s23], [sflag:$0x4] =	stream.indirect.gather [hbm4b:s5+s11], $0x40, s15, s11, $0xb8;
	[tilespmem:$0x16200] =	vst v63  }
0x51: {  	_ =	swait.ge [sflag:s24], $0x3200  }
0x52: {  	[sflag:s24] =	ssyncset.done $0x0  }
0x53: {  	s15 =	simm.s32 $0x0;
	[sflag:s24] =	ssyncadd.s32 $0xFFFFCE00  }
0x54: {  	v0 =	vld [tilespmem:s15+$0x6870]  }
0x55: {  	v1 =	vld [tilespmem:s15+$0x6800]  }
0x56: {  	v2 =	vld [tilespmem:s15+$0x6810]  }
0x57: {  	v3 =	vld [tilespmem:s15+$0x6820]  }
0x58: {  	v4 =	vld [tilespmem:s15+$0x6830]  }
0x59: {  	v5 =	vld [tilespmem:s15+$0x6840]  }
0x5a: {  	v6 =	vld [tilespmem:s15+$0x6850]  }
0x5b: {  	[tilespmem:s15+$0xCC70] =	vst.add.f32.msk $0xffff, v0  }
0x5c: {  	v0 =	vld [tilespmem:s15+$0x6860]  }
0x5d: {  	[tilespmem:s15+$0xCC00] =	vst.add.f32.msk $0xffff, v1  }
0x5e: {  	[tilespmem:s15+$0xCC10] =	vst.add.f32.msk $0xffff, v2  }
0x5f: {  	[tilespmem:s15+$0xCC20] =	vst.add.f32.msk $0xffff, v3  }
0x60: {  	[tilespmem:s15+$0xCC30] =	vst.add.f32.msk $0xffff, v4  }
0x61: {  	[tilespmem:s15+$0xCC40] =	vst.add.f32.msk $0xffff, v5  }
0x62: {  	s14 =	sor.u32 $0x1, s14;
	s17 =	simm.s32 $0x0;
	s18 =	simm.s32 $0x200;
	[tilespmem:s15+$0xCC50] =	vst.add.f32.msk $0xffff, v6  }
.LBB2_5:
0x63: {  	s17 =	sadd.s32 $0x2, s17;
	[tilespmem:s15+$0xCC60] =	vst.add.f32.msk $0xffff, v0;
	s15 =	sshra.s32 s18, $0x2  }
0x64: {  	v0 =	vld [tilespmem:s15+$0x6870];
	p0 =	slt.u32 s17, $0xC6  }
0x65: {  	v1 =	vld [tilespmem:s15+$0x6800]  }
0x66: {  	v2 =	vld [tilespmem:s15+$0x6810]  }
0x67: {  	v3 =	vld [tilespmem:s15+$0x6820]  }
0x68: {  	v4 =	vld [tilespmem:s15+$0x6830]  }
0x69: {  	[tilespmem:s15+$0xCC70] =	vst.add.f32.msk $0xffff, v0  }
0x6a: {  	v5 =	vld [tilespmem:s15+$0x6840]  }
0x6b: {  	v6 =	vld [tilespmem:s15+$0x6850]  }
0x6c: {  	v0 =	vld [tilespmem:s15+$0x6860]  }
0x6d: {  	[tilespmem:s15+$0xCC00] =	vst.add.f32.msk $0xffff, v1  }
.Ltmp1:
0x6e: {  	[tilespmem:s15+$0xCC10] =	vst.add.f32.msk $0xffff, v2;
	(pc) =	sbr.rel @p0 .LBB2_5-.Ltmp1, $4  }
0x6f: {  	[tilespmem:s15+$0xCC20] =	vst.add.f32.msk $0xffff, v3  }
0x70: {  	[tilespmem:s15+$0xCC30] =	vst.add.f32.msk $0xffff, v4  }
0x71: {  	[tilespmem:s15+$0xCC40] =	vst.add.f32.msk $0xffff, v5  }
0x72: {  	s18 =	sadd.s32 $0x200, s18;
	[tilespmem:s15+$0xCC50] =	vst.add.f32.msk $0xffff, v6  }
0x73: {  	s14 =	sadd.s32 s4, s14  }
0x74: {  	s14 =	smul.u32 $0x640, s14;
	_ =	sdelay $0x1  }
0x75: {  	[tilespmem:s15+$0xCC60] =	vst.add.f32.msk $0xffff, v0;
	p0 =	seq.s32 s0, $0x1F;
	s14 =	sadd.s32 s2, s14  }
0x76: {  	[hbm4b:s14+s3] =	stream.linear.scatter [tilespmem:s16], [sflag:$0x6], $0x3200, $0x38;
	[tilespmem:$0x16200] =	vst v63  }
0x77: {  	s14 =	simm.s32 @!p0 $0x5  }
0x78: {  	s15 =	smul.u32 @!p0 $0xD00, s0;
	_ =	swait.ge @!p0 [sflag:s14], $0x3200  }
0x79: {  	[sflag:s14] =	ssyncset.done @!p0 $0x0  }
0x7a: {  	[sflag:s14] =	ssyncadd.s32 @!p0 $0xFFFFCE00;
	s14 =	sshra.s32 @!p0 s15, $0x2  }
0x7b: {  	s17 =	simm.s32 @!p0 $0x64;
	s18 =	simm.s32 @!p0 $0x9A00;
	s15 =	sadd.s32 @!p0 $0x340, s14  }
0x7c: {  	[tilespmem:s18], [sflag:$0x1] =	stream.indirect.gather @!p0 [hbm4b:s5+s17], $0x40, s15, s17, $0xb8;
	[tilespmem:$0x16200] =	vst v63  }
0x7d: {  	s15 =	sadd.s32 @!p0 $0x3A8, s14;
	s18 =	simm.s32 @!p0 $0xB300  }
0x7e: {  	[tilespmem:s18], [sflag:$0x1] =	stream.indirect.gather @!p0 [hbm4b:s5+s17], $0x40, s15, s17, $0xb8;
	[tilespmem:$0x16200] =	vst v63  }
0x7f: {  	_ =	swait.ge [sflag:s25], $0x3200  }
0x80: {  	[sflag:s25] =	ssyncset.done $0x0  }
0x81: {  	s15 =	simm.s32 $0x0;
	[sflag:s25] =	ssyncadd.s32 $0xFFFFCE00  }
0x82: {  	v0 =	vld [tilespmem:s15+$0x6870]  }
0x83: {  	v1 =	vld [tilespmem:s15+$0x6800]  }
0x84: {  	v2 =	vld [tilespmem:s15+$0x6810]  }
0x85: {  	v3 =	vld [tilespmem:s15+$0x6820]  }
0x86: {  	v4 =	vld [tilespmem:s15+$0x6830]  }
0x87: {  	v5 =	vld [tilespmem:s15+$0x6840]  }
0x88: {  	v6 =	vld [tilespmem:s15+$0x6850]  }
0x89: {  	[tilespmem:s15+$0xFE70] =	vst.add.f32.msk $0xffff, v0  }
0x8a: {  	v0 =	vld [tilespmem:s15+$0x6860]  }
0x8b: {  	[tilespmem:s15+$0xFE00] =	vst.add.f32.msk $0xffff, v1  }
0x8c: {  	[tilespmem:s15+$0xFE10] =	vst.add.f32.msk $0xffff, v2  }
0x8d: {  	[tilespmem:s15+$0xFE20] =	vst.add.f32.msk $0xffff, v3  }
0x8e: {  	[tilespmem:s15+$0xFE30] =	vst.add.f32.msk $0xffff, v4  }
0x8f: {  	[tilespmem:s15+$0xFE40] =	vst.add.f32.msk $0xffff, v5  }
0x90: {  	s17 =	simm.s32 $0x0;
	s18 =	simm.s32 $0x200;
	[tilespmem:s15+$0xFE50] =	vst.add.f32.msk $0xffff, v6  }
.LBB2_7:
0x91: {  	s17 =	sadd.s32 $0x2, s17;
	[tilespmem:s15+$0xFE60] =	vst.add.f32.msk $0xffff, v0;
	s15 =	sshra.s32 s18, $0x2  }
0x92: {  	v0 =	vld [tilespmem:s15+$0x6870];
	p1 =	slt.u32 s17, $0xC6  }
0x93: {  	v1 =	vld [tilespmem:s15+$0x6800]  }
0x94: {  	v2 =	vld [tilespmem:s15+$0x6810]  }
0x95: {  	v3 =	vld [tilespmem:s15+$0x6820]  }
0x96: {  	v4 =	vld [tilespmem:s15+$0x6830]  }
0x97: {  	[tilespmem:s15+$0xFE70] =	vst.add.f32.msk $0xffff, v0  }
0x98: {  	v5 =	vld [tilespmem:s15+$0x6840]  }
0x99: {  	v6 =	vld [tilespmem:s15+$0x6850]  }
0x9a: {  	v0 =	vld [tilespmem:s15+$0x6860]  }
0x9b: {  	[tilespmem:s15+$0xFE00] =	vst.add.f32.msk $0xffff, v1  }
.Ltmp2:
0x9c: {  	[tilespmem:s15+$0xFE10] =	vst.add.f32.msk $0xffff, v2;
	(pc) =	sbr.rel @p1 .LBB2_7-.Ltmp2, $4  }
0x9d: {  	[tilespmem:s15+$0xFE20] =	vst.add.f32.msk $0xffff, v3  }
0x9e: {  	[tilespmem:s15+$0xFE30] =	vst.add.f32.msk $0xffff, v4  }
0x9f: {  	[tilespmem:s15+$0xFE40] =	vst.add.f32.msk $0xffff, v5  }
0xa0: {  	s18 =	sadd.s32 $0x200, s18;
	[tilespmem:s15+$0xFE50] =	vst.add.f32.msk $0xffff, v6  }
0xa1: {  	s13 =	sadd.s32 s4, s13  }
0xa2: {  	s13 =	smul.u32 $0x640, s13;
	_ =	sdelay $0x1  }
0xa3: {  	[tilespmem:s15+$0xFE60] =	vst.add.f32.msk $0xffff, v0;
	s13 =	sadd.s32 s2, s13  }
0xa4: {  	[hbm4b:s13+s3] =	stream.linear.scatter [tilespmem:s19], [sflag:$0x7], $0x3200, $0x38;
	[tilespmem:$0x16200] =	vst v63  }
0xa5: {  	s13 =	simm.s32 @!p0 $0x6  }
0xa6: {  	_ =	swait.ge @!p0 [sflag:s13], $0x3200  }
0xa7: {  	s15 =	simm.s32 @!p0 $0x64;
	[sflag:s13] =	ssyncset.done @!p0 $0x0  }
0xa8: {  	s17 =	simm.s32 @!p0 $0xCC00;
	[sflag:s13] =	ssyncadd.s32 @!p0 $0xFFFFCE00;
	s13 =	sadd.s32 @!p0 $0x410, s14  }
0xa9: {  	[tilespmem:s17], [sflag:$0x2] =	stream.indirect.gather @!p0 [hbm4b:s5+s15], $0x40, s13, s15, $0xb8;
	[tilespmem:$0x16200] =	vst v63  }
0xaa: {  	s13 =	sadd.s32 @!p0 $0x478, s14;
	s14 =	simm.s32 @!p0 $0xE500  }
0xab: {  	[tilespmem:s14], [sflag:$0x2] =	stream.indirect.gather @!p0 [hbm4b:s5+s15], $0x40, s13, s15, $0xb8;
	[tilespmem:$0x16200] =	vst v63  }
0xac: {  	_ =	swait.ge [sflag:s26], $0x3200  }
0xad: {  	[sflag:s26] =	ssyncset.done $0x0  }
0xae: {  	s13 =	simm.s32 $0x0;
	[sflag:s26] =	ssyncadd.s32 $0xFFFFCE00  }
0xaf: {  	v0 =	vld [tilespmem:s13+$0x6870]  }
0xb0: {  	v1 =	vld [tilespmem:s13+$0x6800]  }
0xb1: {  	v2 =	vld [tilespmem:s13+$0x6810]  }
0xb2: {  	v3 =	vld [tilespmem:s13+$0x6820]  }
0xb3: {  	v4 =	vld [tilespmem:s13+$0x6830]  }
0xb4: {  	v5 =	vld [tilespmem:s13+$0x6840]  }
0xb5: {  	v6 =	vld [tilespmem:s13+$0x6850]  }
0xb6: {  	[tilespmem:s13+$0x13070] =	vst.add.f32.msk $0xffff, v0  }
0xb7: {  	v0 =	vld [tilespmem:s13+$0x6860]  }
0xb8: {  	[tilespmem:s13+$0x13000] =	vst.add.f32.msk $0xffff, v1  }
0xb9: {  	[tilespmem:s13+$0x13010] =	vst.add.f32.msk $0xffff, v2  }
0xba: {  	[tilespmem:s13+$0x13020] =	vst.add.f32.msk $0xffff, v3  }
0xbb: {  	[tilespmem:s13+$0x13030] =	vst.add.f32.msk $0xffff, v4  }
0xbc: {  	[tilespmem:s13+$0x13040] =	vst.add.f32.msk $0xffff, v5  }
0xbd: {  	s14 =	simm.s32 $0x0;
	s15 =	simm.s32 $0x200;
	[tilespmem:s13+$0x13050] =	vst.add.f32.msk $0xffff, v6  }
.LBB2_9:
0xbe: {  	s14 =	sadd.s32 $0x2, s14;
	[tilespmem:s13+$0x13060] =	vst.add.f32.msk $0xffff, v0;
	s13 =	sshra.s32 s15, $0x2  }
0xbf: {  	v0 =	vld [tilespmem:s13+$0x6870];
	p0 =	slt.u32 s14, $0xC6  }
0xc0: {  	v1 =	vld [tilespmem:s13+$0x6800]  }
0xc1: {  	v2 =	vld [tilespmem:s13+$0x6810]  }
0xc2: {  	v3 =	vld [tilespmem:s13+$0x6820]  }
0xc3: {  	v4 =	vld [tilespmem:s13+$0x6830]  }
0xc4: {  	[tilespmem:s13+$0x13070] =	vst.add.f32.msk $0xffff, v0  }
0xc5: {  	v5 =	vld [tilespmem:s13+$0x6840]  }
0xc6: {  	v6 =	vld [tilespmem:s13+$0x6850]  }
0xc7: {  	v0 =	vld [tilespmem:s13+$0x6860]  }
0xc8: {  	[tilespmem:s13+$0x13000] =	vst.add.f32.msk $0xffff, v1  }
.Ltmp3:
0xc9: {  	[tilespmem:s13+$0x13010] =	vst.add.f32.msk $0xffff, v2;
	(pc) =	sbr.rel @p0 .LBB2_9-.Ltmp3, $4  }
0xca: {  	[tilespmem:s13+$0x13020] =	vst.add.f32.msk $0xffff, v3  }
0xcb: {  	[tilespmem:s13+$0x13030] =	vst.add.f32.msk $0xffff, v4  }
0xcc: {  	[tilespmem:s13+$0x13040] =	vst.add.f32.msk $0xffff, v5  }
0xcd: {  	s15 =	sadd.s32 $0x200, s15;
	[tilespmem:s13+$0x13050] =	vst.add.f32.msk $0xffff, v6  }
0xce: {  	s0 =	sadd.s32 $0x1, s0  }
0xcf: {  	p0 =	sne.s32 s0, $0x20  }
.Ltmp4:
0xd0: {  	s10 =	sadd.s32 s4, s10;
	(pc) =	sbr.rel @p0 .LBB2_2-.Ltmp4, $3  }
0xd1: {  	s10 =	smul.u32 $0x640, s10;
	_ =	sdelay $0x1  }
0xd2: {  	[tilespmem:s13+$0x13060] =	vst.add.f32.msk $0xffff, v0;
	s10 =	sadd.s32 s2, s10  }
0xd3: {  	[hbm4b:s10+s3] =	stream.linear.scatter [tilespmem:s22], [sflag:$0x8], $0x3200, $0x38;
	[tilespmem:$0x16200] =	vst v63  }
0xd4: {  	_ =	swait.ge [sflag:s28], $0x3200  }
0xd5: {  	[sflag:s28] =	ssyncset.done $0x0  }
0xd6: {  	[sflag:s28] =	ssyncadd.s32 $0xFFFFCE00  }
0xd7: {  	_ =	swait.ge [sflag:s29], $0x3200  }
0xd8: {  	[sflag:s29] =	ssyncset.done $0x0  }
0xd9: {  	s1 =	sadd.s32 $0x1, s1;
	[sflag:s29] =	ssyncadd.s32 $0xFFFFCE00  }
0xda: {  	p0 =	sne.s32 s1, s8;
	_ =	swait.ge [sflag:s30], $0x3200  }
.Ltmp5:
0xdb: {  	[sflag:s30] =	ssyncset.done $0x0;
	(pc) =	sbr.rel @p0 .LBB2_1-.Ltmp5, $4  }
0xdc: {  	[sflag:s30] =	ssyncadd.s32 $0xFFFFCE00  }
0xdd: {  	_ =	swait.ge [sflag:s31], $0x3200  }
0xde: {  	[sflag:s31] =	ssyncset.done $0x0  }
0xdf: {  	[sflag:s31] =	ssyncadd.s32 $0xFFFFCE00  }
0xe0: {  	_ =	sfence.sel $0x180000  }
0xe1: {  	[bflag:$0x0] =	sbarrier.arrive $0xFFFF  }
0xe2: {  	_ =	strace $0x90000047  }
0xe3: {  	s0 =	stileid.u32;
	[bflag:$0x2] =	sbarrier.arrive $0xFFFF  }
0xe4: {  	p0 =	sne.s32 s0, $0x0;
	s0 =	rddreg [dreg:$0x2]  }
0xe5: {  	s0 =	sadd.s32 @!p0 $0x100000, s0  }
0xe6: {  	[sflag:s0] =	ssyncadd.tile.s32 @!p0 $0x1;
	_ =	shalt  }
.Lfunc_end2:
_tile_overlayer_lowered:
.L_overlay_start_2:
0xe7: {  	(tag) =	ssettag $0x2  }
0xe8: {  	s0 =	rddreg [dreg:$0x0];
	s2 =	stileid.u32  }
0xe9: {  	s1 =	rddreg [dreg:$0x1];
	p0 =	sne.s32 s2, $0x0  }
0xea: {  	s3 =	rddreg [dreg:$0x2];
	[bflag:$0x3] =	sbarrier.arrive $0xFFFF;
	s2 =	simm.s32 @!p0 $0x1C09  }
0xeb: {  	[timem:s3], [sflag:s2] =	dma.local @!p0 [hbm:s0], s1  }
0xec: {  	s0 =	simm.s32 @!p0 $0x9  }
0xed: {  	_ =	swait.ge @!p0 [sflag:s0], s1  }
0xee: {  	s1 =	ssub.s32 @!p0 $0x0, s1;
	[sflag:s0] =	ssyncset.done @!p0 $0x0  }
0xef: {  	[sflag:s0] =	ssyncadd.s32 @!p0 s1  }
0xf0: {  	[bflag:$0x3] =	sbarrier.arrive $0xFFFF  }
0xf1: {  	_ =	shalt  }

// kernel: sparse-core-data-format-call.cloned.1.call-start
scs
called_computation_lowered:
.L_overlay_start_0:
0x0: {  	s2 =	sld [smem:$0x3FD9]  }
0x1: {  	s3 =	sld [smem:$0x3FFE];
	_ =	sdelay $0x1  }
0x2: {  	s1 =	srdreg.scid  }
0x3: {  	s0 =	sand.u32 $0x1, s1  }
0x4: {  	s18 =	sshll.u32 s0, $0xA;
	s2 =	sadd.s32 s3, s2  }
0x5: {  	s2 =	sadd.s32 s2, s18  }
0x6: {  	[smem:$0x3FC5] =	sst s2  }
0x7: {  	_ = 	snop  }
0x8: {  	s2 =	sld [smem:$0x3FD0];
	(tm) =	ssettm $0x1  }
0x9: {  	s19 =	sld [smem:$0x3FFB];
	_ =	sdelay $0x3  }
0xa: {  	_ =	strace s19  }
0xb: {  	s3 =	sld [smem:$0x3FFC];
	_ =	sdelay $0x3  }
0xc: {  	_ =	strace s3  }
0xd: {  	s3 =	sld [smem:$0x3FFD];
	_ =	sdelay $0x3  }
0xe: {  	_ =	strace s3  }
0xf: {  	_ =	strace $0x8FFFFFFF  }
0x10: {  	s20 =	sld [smem:$0x3FDB];
	_ =	sdelay $0x1  }
0x11: {  	s4 =	simm.s32 $_scs_section_size  }
0x12: {  	s5 =	simm.s32 $_size__tile_overlayer_lowered;
	s6 =	simm.s32 $_tile_overlayer_lowered  }
0x13: {  	s23 =	simm.s32 $0x1BFF;
	s22 =	sshll.u32 s6, $0x1;
	s3 =	sadd.s32 s4, s20  }
0x14: {  	s7 =	simm.s32 $0x0;
	s21 =	sshll.u32 s5, $0x1;
	s5 =	sadd.s32 s22, s3  }
0x15: {  	[timem:s7], [sflag:s23] =	dma.local [hbm:s5], s21  }
0x16: {  	_ =	swait.ge [sflag:s23], s21  }
0x17: {  	s4 =	ssub.s32 $0x0, s21;
	[sflag:s23] =	ssyncset.done $0x0  }
0x18: {  	[sflag:s23] =	ssyncadd.s32 s4;
	_ =	sdelay $0x1  }
0x19: {  	s24 =	simm.s32 $0x1B8B  }
0x1a: {  	_ =	swait.ge [sflag:s24], $0x1  }
0x1b: {  	[sflag:s24] =	ssyncset.done $0x0  }
0x1c: {  	s26 =	simm.s32 $0x1B8E;
	s25 =	sld [smem:$0x3FFE];
	[sflag:s24] =	ssyncadd.s32 $0xFFFFFFFF  }
0x1d: {  	s27 =	simm.s32 $execute0_lowered;
	[smem:$0x3FD2] =	sst s26  }
0x1e: {  	s5 =	sshll.u32 s27, $0x1;
	_ =	strace $0x80000049;
	[dreg:$0x1] =	wrdreg $0xFFFFFFFF  }
0x1f: {  	s28 =	simm.s32 $_size_execute0_lowered;
	s3 =	sadd.s32 s3, s5;
	[dreg:$0x0] =	wrdreg $0x0  }
0x20: {  	s5 =	sshll.u32 s28, $0x1;
	[dreg:$0x2] =	wrdreg s3  }
0x21: {  	[dreg:$0x3] =	wrdreg s5  }
0x22: {  	[dreg:$0x4] =	wrdreg $0xC0  }
0x23: {  	_ =	task [dreg:s7], $0x5FFFF  }
0x24: {  	[dreg:$0x1] =	wrdreg $0xFFFFFFFF  }
0x25: {  	[dreg:$0x0] =	wrdreg $0x60  }
0x26: {  	[dreg:$0x2] =	wrdreg s25  }
0x27: {  	[dreg:$0x3] =	wrdreg s2  }
0x28: {  	[dreg:$0x4] =	wrdreg $0x9  }
0x29: {  	_ =	task.clear_ibuf [dreg:s7], $0x5FFFF;
	_ =	strace $0x90000049  }
0x2a: {  	s29 =	simm.s32 $0x9;
	_ =	strace $0x8000004B  }
0x2b: {  	_ =	swait.ge [sflag:s29], $0x1  }
0x2c: {  	[sflag:s29] =	ssyncadd.s32 $0xFFFFFFFF  }
0x2d: {  	_ =	strace $0x9000004B  }
0x2e: {  	_ =	sfence  }
0x2f: {  	s30 =	sld [smem:$0x0];
	_ =	sdelay $0x2  }
0x30: {  	s31 =	sshll.u32 s1, $0xD;
	s1 =	sshrl.u32 s1, $0x2  }
0x31: {  	s3 =	sand.u32 $0x4000, s31;
	s1 =	sadd.s32 s1, s30  }
0x32: {  	s0 =	sor.u32 s3, s0;
	s1 =	sshll.u32 s1, $0x11  }
0x33: {  	s0 =	sor.u32 s1, s0  }
0x34: {  	s0 =	sadd.s32 $0x8F2B, s0  }
0x35: {  	[sflag:s0] =	ssyncadd.remote.s32 $0x1  }
0x36: {  	_ =	sfence.sel $0xFFFF  }
0x37: {  	[dreg:$0x0] =	wrdreg $0xFFFFFFFF;
	(pc) =	sbr.abs _section_cstart, $3  }
0x38: {  	[dreg:$0x1] =	wrdreg $0xFFFFFFFF  }
0x39: {  	_ =	task.clear_ibuf [dreg:s7], $0x2FFFF;
	_ =	strace $0x9FFFFFFF  }
0x3a: {  	(tm) =	ssettm $0x7FFFFFFF  }
0x3b: {  	_ =	shalt  }
tec
execute0_lowered:
.L_overlay_start_1:
0x0: {  	(tag) =	ssettag $0x1  }
0x1: {  	s0 =	srdreg.scid  }
0x2: {  	s1 =	sshll.u32 s0, $0x4  }
0x3: {  	s0 =	stileid.u32;
	s1 =	sand.u32 $0x10, s1  }
0x4: {  	s1 =	sor.u32 s0, s1  }
0x5: {  	s6 =	rddreg [dreg:$0x0];
	s4 =	simm.s32 $0x1;
	s2 =	sshll.u32 s1, $0x7  }
0x6: {  	s7 =	simm.s32 $0x2;
	s12 =	simm.s32 $0x0;
	s1 =	ssub.s32 $0x1000, s2  }
0x7: {  	s8 =	simm.s32 $0x8000;
	s13 =	simm.s32 $0x0;
	s3 =	sand.u32 $0xF80, s1  }
0x8: {  	s9 =	simm.s32 $0x0;
	s5 =	sshrl.u32 s1, $0xC;
	p0 =	sne.s32 s3, $0x0  }
.Ltmp0:
0x9: {  	s1 =	rddreg [dreg:$0x2];
	s4 =	simm.s32 @!p0 $0x0;
	(pc) =	sbr.rel .LBB1_1-.Ltmp0, $4  }
0xa: {  	s11 =	simm.s32 $0x0;
	s3 =	rddreg [dreg:$0x1];
	s5 =	sadd.s32 s4, s5  }
0xb: {  	_ =	strace $0x8000004A;
	s4 =	simm.s32 $0x1;
	s5 =	smul.u32 $0xC8, s5  }
0xc: {  	s6 =	sadd.s32 $0xC00, s6;
	s10 =	smov.u32 s2;
	[sflag:s4] =	ssyncpa.u1 $0x0  }
0xd: {  	p0 =	por $0x0, $0x0;
	[sflag:s7] =	ssyncpa.u1 $0x0;
	s7 =	sor.u32 $0x1, s5  }
.LBB1_4:
0xe: {  	s16 =	sshll.u32 s13, $0x3;
	s17 =	sand.u32 $0x78, s13  }
0xf: {  	s30 =	sand.u32 $0x7E00, s13;
	s12 =	sshll.u32 s12, $0xF;
	s16 =	sand.u32 $0xC00, s16  }
0x10: {  	[tilespmem:s15+$0x810 ss:$0x81] =	vst.msk $0xffff, v2;
	s31 =	sand.u32 $0x7, s13;
	s16 =	sor.u32 s17, s16;
	s17 =	sadd.s32 s3, s30  }
0x11: {  	[tilespmem:s15+$0x1020 ss:$0x81] =	vst.msk $0xffff, v0;
	s13 =	sshll.u32 s31, $0x12;
	s12 =	sadd.s32 s12, s17;
	s16 =	sshrl.u32 s16, $0x3  }
0x12: {  	[tilespmem:s15+$0x0 ss:$0x81] =	vst.msk $0xffff, v1;
	s13 =	sor.u32 $0x400, s13;
	s12 =	sadd.s32 s16, s12  }
0x13: {  	[hbm4b:s12+s13] =	stream.strided.scatter [tilespmem:s14], [sflag:$0x2], $0x2000, s8, s13, $0x20;
	[tilespmem:$0x8080] =	vst v63  }
.LBB1_5:
0x14: {  	s14 =	sadd.s32 $0x1, s9  }
0x15: {  	s12 =	sadd.s32 $0x1000, s10;
	s16 =	smov.u32 s10;
	p2 =	sgt.s32 s14, $0xC7  }
0x16: {  	s16 =	smov.u32 @p2 s12  }
0x17: {  	s14 =	simm.s32 @p2 $0x0;
	p2 =	sgt.s32 s16, $0xFFF  }
0x18: {  	s16 =	smov.u32 @p2 s2;
	p2 =	sne.s32 s11, s7  }
.Ltmp1:
0x19: {  	p1 =	slt.u32 s11, $0x2;
	(pc) =	sbr.rel @!p2 .LBB1_6-.Ltmp1, $4  }
0x1a: {  	s15 =	simm.s32 @!p1 $0x2  }
0x1b: {  	s13 =	smov.u32 s10;
	p0 =	por !p0, !p0;
	_ =	swait.ge @!p1 [sflag:s15], $0x2000  }
0x1c: {  	s12 =	smov.u32 s9;
	[sflag:s15] =	ssyncset.done @!p1 $0x0;
	s9 =	smov.u32 s14  }
0x1d: {  	s11 =	sadd.s32 $0x1, s11;
	[sflag:s15] =	ssyncadd.s32 @!p1 $0xFFFFE000;
	s10 =	smov.u32 s16  }
.LBB1_1:
0x1e: {  	p1 =	sge.u32 s11, s5  }
0x1f: {  	s14 =	sand.u32 @!p1 $0x1FFFFFF, s9  }
0x20: {  	s15 =	smulhi.u32 @!p1 $0x147AE15, s14;
	_ =	sdelay $0x1  }
0x21: {  	s15 =	smul.u32 @!p1 $0xC8, s15  }
0x22: {  	s16 =	sxor.u32 @!p1 $0xFFFFFFFF, s11;
	s17 =	smul.u32 @!p1 $0xC80, s10  }
0x23: {  	s31 =	sadd.s32 $0xFFFFFFFF, s11;
	s16 =	sshll.u32 @!p1 s16, $0xD;
	s14 =	ssub.s32 @!p1 s14, s15  }
0x24: {  	s15 =	sand.u32 @!p1 $0x2000, s16;
	s16 =	sadd.s32 @!p1 s6, s17;
	s14 =	sshll.u32 @!p1 s14, $0x4  }
0x25: {  	s17 =	simm.s32 @!p1 $0x6400;
	s14 =	sadd.s32 @!p1 s14, s16;
	s16 =	simm.s32 @!p1 $0x40  }
0x26: {  	[tilespmem:s15], [sflag:$0x1] =	stream.strided.gather @!p1 [hbm4b:s14+s16], $0x2000, s17, s16, $0x38;
	[tilespmem:$0x8080] =	vst v63  }
0x27: {  	p1 =	sge.u32 s31, s5  }
.Ltmp2:
0x28: {  	_ = 	snop;
	(pc) =	sbr.rel @p1 .LBB1_5-.Ltmp2, $1  }
0x29: {  	_ =	sdelay $0x3  }
0x2a: {  	s14 =	simm.s32 $0x1  }
0x2b: {  	_ =	swait.ge [sflag:s4], $0x2000;
	s14 =	simm.s32 @!p0 $0x0  }
0x2c: {  	[sflag:s4] =	ssyncset.done $0x0;
	s15 =	sshll.u32 s14, $0xD  }
0x2d: {  	[sflag:s4] =	ssyncadd.s32 $0xFFFFE000;
	s18 =	sor.u32 $0x20, s15  }
0x2e: {  	s14 =	smul.u32 $0x8100, s14;
	v3 =	vld [tilespmem:s18+$0x10]  }
0x2f: {  	s30 =	sand.u32 $0x1, s11;
	v2 =	vld [tilespmem:s18+$0xFFFFFFF0]  }
0x30: {  	s15 =	smul.u32 $0x8100, s30;
	s14 =	sshrl.u32 s14, $0x2;
	v0 =	vld [tilespmem:s18+$0x0]  }
0x31: {  	v1 =	vld [tilespmem:s18+$0xFFFFFFE0];
	s16 =	sor.u32 $0x4000, s14  }
0x32: {  	s31 =	sshrl.u32 s15, $0x2;
	s15 =	sadd.s32 $0x0, s16  }
0x33: {  	s17 =	simm.s32 $0x4;
	s18 =	sadd.s32 $0x40, s18;
	s14 =	sor.u32 $0x4000, s31;
	[tilespmem:s15+$0x1830 ss:$0x81] =	vst.msk $0xffff, v3  }
.LBB1_3:
0x34: {  	v3 =	vld [tilespmem:s18+$0x10];
	p1 =	sne.s32 s17, $0x1FC;
	[tilespmem:s15+$0x810 ss:$0x81] =	vst.msk $0xffff, v2;
	s19 =	smov.u32 s17;
	s17 =	sadd.s32 $0x4, s17  }
.Ltmp3:
0x35: {  	v2 =	vld [tilespmem:s18+$0xFFFFFFF0];
	[tilespmem:s15+$0x1020 ss:$0x81] =	vst.msk $0xffff, v0;
	(pc) =	sbr.rel @p1 .LBB1_3-.Ltmp3, $4  }
0x36: {  	v0 =	vld [tilespmem:s18+$0x0];
	[tilespmem:s15+$0x0 ss:$0x81] =	vst.msk $0xffff, v1  }
0x37: {  	s15 =	sshra.s32 s19, $0x2;
	v1 =	vld [tilespmem:s18+$0xFFFFFFE0]  }
0x38: {  	s15 =	sadd.s32 s15, s16  }
0x39: {  	s18 =	sadd.s32 $0x40, s18;
	[tilespmem:s15+$0x1830 ss:$0x81] =	vst.msk $0xffff, v3  }
.Ltmp4:
0x3a: {  	_ = 	snop;
	(pc) =	sbr.rel .LBB1_4-.Ltmp4, $1  }
0x3b: {  	_ =	sdelay $0x3  }
.LBB1_6:
0x3c: {  	_ =	sfence.sel $0x180000  }
0x3d: {  	s2 =	simm.s32 $0x1;
	[bflag:$0x0] =	sbarrier.arrive $0xFFFF  }
0x3e: {  	s31 =	simm.s32 $0x2;
	[sflag:s2] =	ssyncpa.u1 $0x1  }
0x3f: {  	[sflag:s31] =	ssyncpa.u1 $0x1  }
0x40: {  	p0 =	sne.s32 s0, $0x0;
	_ =	strace $0x9000004A  }
0x41: {  	s0 =	sadd.s32 @!p0 $0x100000, s1;
	[bflag:$0x2] =	sbarrier.arrive $0xFFFF  }
0x42: {  	[sflag:s0] =	ssyncadd.tile.s32 @!p0 $0x1;
	_ =	shalt  }
.Lfunc_end1:
_tile_overlayer_lowered:
.L_overlay_start_2:
0x43: {  	(tag) =	ssettag $0x2  }
0x44: {  	s0 =	rddreg [dreg:$0x0];
	s2 =	stileid.u32  }
0x45: {  	s1 =	rddreg [dreg:$0x1];
	p0 =	sne.s32 s2, $0x0  }
0x46: {  	s3 =	rddreg [dreg:$0x2];
	[bflag:$0x3] =	sbarrier.arrive $0xFFFF;
	s2 =	simm.s32 @!p0 $0x1C01  }
0x47: {  	[timem:s3], [sflag:s2] =	dma.local @!p0 [hbm:s0], s1  }
0x48: {  	s0 =	simm.s32 @!p0 $0x1  }
0x49: {  	_ =	swait.ge @!p0 [sflag:s0], s1  }
0x4a: {  	s1 =	ssub.s32 @!p0 $0x0, s1;
	[sflag:s0] =	ssyncset.done @!p0 $0x0  }
0x4b: {  	[sflag:s0] =	ssyncadd.s32 @!p0 s1  }
0x4c: {  	[bflag:$0x3] =	sbarrier.arrive $0xFFFF  }
0x4d: {  	_ =	shalt  }

</sc_bundles>
